<compile_context>
chip_gen: v7x
topology: tpu7x:2x2x1
jax: 0.10.2.dev20260603
libtpu: 0.0.44.dev20260713+nightly
codegen_flags: <defaults>
</compile_context>

<pallas_src>
import functools

import jax
import jax.numpy as jnp
from jax import lax
from jax.experimental import pallas as pl
from jax.experimental.pallas import tpu as pltpu
from jax.experimental.pallas import tpu_sc as plsc

VOCAB = 100000
HIDDEN = 128
MAX_POS = 2048
B = 4
L = 2048
EPS = 1e-5

N = B * L
NW = 32
TPW = N // NW
ICH = 128
NCH = TPW // ICH
HREG = HIDDEN // 16
LANES = 16
GRP = 16
NGRP = TPW // GRP
GPC = ICH // GRP
ACC = TPW + LANES


def _rsqrt(xv):
    i = plsc.bitcast(xv, jnp.int32)
    i = jnp.int32(0x5F3759DF) - (i >> 1)
    y = plsc.bitcast(i, jnp.float32)
    half = xv * jnp.float32(0.5)
    for _ in range(3):
        y = y * (jnp.float32(1.5) - half * y * y)
    return y


def _make_kernel():
    mesh = plsc.VectorSubcoreMesh(core_axis_name="c", subcore_axis_name="s")

    @functools.partial(
        pl.kernel,
        mesh=mesh,
        out_type=jax.ShapeDtypeStruct((N, HIDDEN), jnp.float32),
        compiler_params=pltpu.CompilerParams(needs_layout_passes=False,
                                             skip_device_barrier=True),
        scratch_types=[
            pltpu.VMEM((NCH, ICH), jnp.int32),
            pltpu.VMEM((TPW,), jnp.int32),
            pltpu.VMEM((TPW, HIDDEN), jnp.float32),
            pltpu.VMEM((TPW, HIDDEN), jnp.float32),
            pltpu.VMEM((TPW, HIDDEN), jnp.float32),
            pltpu.VMEM((2, HIDDEN), jnp.float32),
            pltpu.VMEM((TPW + 8,), jnp.float32),
            pltpu.VMEM((HIDDEN,), jnp.float32),
            pltpu.VMEM((HIDDEN,), jnp.float32),
            pltpu.VMEM((ACC,), jnp.float32),
            pltpu.VMEM((ACC,), jnp.float32),
            pltpu.VMEM((ACC,), jnp.float32),
            pltpu.VMEM((ACC,), jnp.float32),
            pltpu.SemaphoreType.DMA,
            pltpu.SemaphoreType.DMA,
            pltpu.SemaphoreType.DMA,
            pltpu.SemaphoreType.DMA,
            pltpu.SemaphoreType.DMA,
        ],
    )
    def emb_kernel(text_hbm, seg_hbm, word_hbm, pos_hbm, segtab_hbm,
                   gamma_hbm, beta_hbm, out_hbm,
                   idx_v, segidx_v, words_v, ebuf_v, pos_v, segtab_v, segf_v,
                   gamma_v, beta_v, ssum_v, ssq_v, rstd_v, m2_v,
                   sem_i, sem_b, sem_w0, sem_w1, sem_o):
        wid = lax.axis_index("s") * 2 + lax.axis_index("c")
        base = wid * TPW
        bb = wid // (L // TPW)
        col = lax.rem(base, L)

        cis = [pltpu.async_copy(text_hbm.at[bb, pl.ds(col + j * ICH, ICH)],
                                idx_v.at[j], sem_i)
               for j in range(NCH)]
        cis.append(pltpu.async_copy(seg_hbm.at[bb, pl.ds(col, TPW)],
                                    segidx_v, sem_i))
        pos_base = col
        cb = [pltpu.async_copy(pos_hbm.at[pl.ds(pos_base, TPW)], pos_v,
                               sem_b),
              pltpu.async_copy(gamma_hbm, gamma_v, sem_b),
              pltpu.async_copy(beta_hbm, beta_v, sem_b),
              pltpu.async_copy(segtab_hbm, segtab_v, sem_b)]

        lane = lax.iota(jnp.int32, LANES)
        zero16 = jnp.zeros((LANES,), dtype=jnp.float32)
        for i in range(1, ACC // LANES):
            plsc.store_scatter(ssum_v, [lane + (i * LANES)], zero16)
            plsc.store_scatter(ssq_v, [lane + (i * LANES)], zero16)

        for c in cis:
            c.wait()
        cw = [pltpu.async_copy(word_hbm.at[idx_v.at[0]],
                               words_v.at[pl.ds(0, ICH)], sem_w0),
              pltpu.async_copy(word_hbm.at[idx_v.at[1]],
                               words_v.at[pl.ds(ICH, ICH)], sem_w1)]

        for c in cb:
            c.wait()
        for k in range(TPW // LANES):
            iv = segidx_v[pl.ds(k * LANES, LANES)]
            segf_v[pl.ds(1 + k * LANES, LANES)] = iv.astype(jnp.float32)

        seg0 = [segtab_v[0, pl.ds(h * LANES, LANES)] for h in range(HREG)]
        segd = [segtab_v[1, pl.ds(h * LANES, LANES)] - seg0[h]
                for h in range(HREG)]
        inv_h = jnp.float32(1.0 / HIDDEN)

        cw[0].wait()
        cw[1].wait()

        @plsc.parallel_loop(0, TPW, unroll=4)
        def pass_a(t):
            sf = plsc.load_gather(
                segf_v, [jnp.broadcast_to(t + 1, (LANES,))])
            e = []
            for h in range(HREG):
                hs = pl.ds(h * LANES, LANES)
                v = (words_v[t, hs] + pos_v[t, hs]
                     + (seg0[h] + sf * segd[h]))
                e.append(v)
            tot = e[0]
            sq = e[0] * e[0]
            for h in range(1, HREG):
                tot = tot + e[h]
                sq = sq + e[h] * e[h]
            slot = jnp.broadcast_to(t + LANES, (LANES,))
            plsc.addupdate_scatter(ssum_v, [slot], tot)
            plsc.addupdate_scatter(ssq_v, [slot], sq)
            for h in range(HREG):
                ebuf_v[t, pl.ds(h * LANES, LANES)] = e[h]

        gammas = [gamma_v[pl.ds(h * LANES, LANES)] for h in range(HREG)]
        betas = [beta_v[pl.ds(h * LANES, LANES)] for h in range(HREG)]

        @plsc.parallel_loop(0, NGRP, unroll=2)
        def pass_stats(g):
            t0 = g * GRP
            s = ssum_v[pl.ds(t0 + LANES, LANES)]
            ss = ssq_v[pl.ds(t0 + LANES, LANES)]
            mean = s * inv_h
            var = ss * inv_h - mean * mean
            rstd = _rsqrt(var + jnp.float32(EPS))
            rstd_v[pl.ds(t0 + LANES, LANES)] = rstd
            m2_v[pl.ds(t0 + LANES, LANES)] = mean * rstd

        @plsc.parallel_loop(0, TPW, unroll=4)
        def pass_b(t):
            slot = jnp.broadcast_to(t + LANES, (LANES,))
            r = plsc.load_gather(rstd_v, [slot])
            m = plsc.load_gather(m2_v, [slot])
            for h in range(HREG):
                hs = pl.ds(h * LANES, LANES)
                words_v[t, hs] = (ebuf_v[t, hs] * r - m) * gammas[h] \
                    + betas[h]

        pltpu.sync_copy(words_v, out_hbm.at[pl.ds(base, TPW)])

    return emb_kernel


_emb_kernel = _make_kernel()


def kernel(batch_text_idx, batch_seg_idx, word_table, pos_table, seg_table,
           ln_gamma, ln_beta):
    out = _emb_kernel(batch_text_idx.astype(jnp.int32),
                      batch_seg_idx.astype(jnp.int32),
                      word_table, pos_table, seg_table, ln_gamma, ln_beta)
    return out.reshape(B, L, HIDDEN)

# --- scband reference (transcript-rebuilt; emitter-appended) ---
"""Pipeline reference for scband-bert-embedding-67826123538540 (READ-ONLY COPY).

The authoritative reference and input builder live on the scoring server;
editing this copy changes nothing except your own understanding.
"""

import jax, jax.numpy as jnp
import numpy as np

VOCAB = 100000
HIDDEN = 128
MAX_POS = 2048
TYPE_VOCAB = 2
B = 4
L = 2048  # must equal MAX_POS because forward adds pos_emb of length MAX_POS
EPS = 1e-5


def setup_inputs(seed: int = 0) -> dict:
    key = jax.random.key(seed)
    k1, k2, k3, k4, k5 = jax.random.split(key, 5)
    batch_text_idx = jax.random.randint(k1, (B, L), 0, VOCAB, dtype=jnp.int64 if jax.config.jax_enable_x64 else jnp.int32)
    batch_seg_idx = jax.random.randint(k2, (B, L), 0, TYPE_VOCAB, dtype=jnp.int64 if jax.config.jax_enable_x64 else jnp.int32)
    word_table = jax.random.normal(k3, (VOCAB, HIDDEN), dtype=jnp.float32) * 0.02
    pos_table = jax.random.normal(k4, (MAX_POS, HIDDEN), dtype=jnp.float32) * 0.02
    seg_table = jax.random.normal(k5, (TYPE_VOCAB, HIDDEN), dtype=jnp.float32) * 0.02
    ln_gamma = jnp.ones((HIDDEN,), dtype=jnp.float32)
    ln_beta = jnp.zeros((HIDDEN,), dtype=jnp.float32)
    return {
        "batch_text_idx": batch_text_idx,
        "batch_seg_idx": batch_seg_idx,
        "word_table": word_table,
        "pos_table": pos_table,
        "seg_table": seg_table,
        "ln_gamma": ln_gamma,
        "ln_beta": ln_beta,
    }


def reference(batch_text_idx, batch_seg_idx, word_table, pos_table, seg_table, ln_gamma, ln_beta):
    # word embedding lookup (gather)
    word_emb = jnp.take(word_table, batch_text_idx, axis=0)  # [B, L, H]
    # position embedding: arange(MAX_POS) repeated per batch row
    pos_idx = jnp.arange(MAX_POS)
    pos_emb = jnp.take(pos_table, pos_idx, axis=0)[None, :, :]  # [1, MAX_POS, H]
    pos_emb = jnp.broadcast_to(pos_emb, (batch_text_idx.shape[0], MAX_POS, HIDDEN))
    # segment embedding lookup
    seg_emb = jnp.take(seg_table, batch_seg_idx, axis=0)  # [B, L, H]
    emb = word_emb + pos_emb + seg_emb
    # LayerNorm over last dim (torch default eps=1e-5)
    mean = jnp.mean(emb, axis=-1, keepdims=True)
    var = jnp.mean(jnp.square(emb - mean), axis=-1, keepdims=True)
    emb = (emb - mean) / jnp.sqrt(var + EPS)
    emb = emb * ln_gamma + ln_beta
    # dropout is identity in eval mode
    return emb

if __name__ == "__main__":
    import jax
    _d = setup_inputs()
    print(jax.jit(kernel)(*tuple(_d.values())))

</pallas_src>

<mosaic_0001>
#map = affine_map<(d0, d1) -> (0, 0)>
#map1 = affine_map<(d0, d1) -> (0)>
module attributes {stable_mosaic.version = 14 : i64} {
  func.func @emb_kernel(%arg0: i32, %arg1: i32, %arg2: memref<4x2048xi32, #tpu.memory_space<hbm>>, %arg3: memref<4x2048xi32, #tpu.memory_space<hbm>>, %arg4: memref<100000x128xf32, #tpu.memory_space<hbm>>, %arg5: memref<2048x128xf32, #tpu.memory_space<hbm>>, %arg6: memref<2x128xf32, #tpu.memory_space<hbm>>, %arg7: memref<128xf32, #tpu.memory_space<hbm>>, %arg8: memref<128xf32, #tpu.memory_space<hbm>>, %arg9: memref<8192x128xf32, #tpu.memory_space<hbm>>, %arg10: memref<2x128xi32, #tpu.memory_space<vmem>>, %arg11: memref<256xi32, #tpu.memory_space<vmem>>, %arg12: memref<256x128xf32, #tpu.memory_space<vmem>>, %arg13: memref<256x128xf32, #tpu.memory_space<vmem>>, %arg14: memref<256x128xf32, #tpu.memory_space<vmem>>, %arg15: memref<2x128xf32, #tpu.memory_space<vmem>>, %arg16: memref<264xf32, #tpu.memory_space<vmem>>, %arg17: memref<128xf32, #tpu.memory_space<vmem>>, %arg18: memref<128xf32, #tpu.memory_space<vmem>>, %arg19: memref<272xf32, #tpu.memory_space<vmem>>, %arg20: memref<272xf32, #tpu.memory_space<vmem>>, %arg21: memref<272xf32, #tpu.memory_space<vmem>>, %arg22: memref<272xf32, #tpu.memory_space<vmem>>, %arg23: memref<!tpu.dma_semaphore, #tpu.memory_space<semaphore_mem>>, %arg24: memref<!tpu.dma_semaphore, #tpu.memory_space<semaphore_mem>>, %arg25: memref<!tpu.dma_semaphore, #tpu.memory_space<semaphore_mem>>, %arg26: memref<!tpu.dma_semaphore, #tpu.memory_space<semaphore_mem>>, %arg27: memref<!tpu.dma_semaphore, #tpu.memory_space<semaphore_mem>>) attributes {dimension_semantics = [#tpu.dimension_semantics<core_parallel>, #tpu.dimension_semantics<subcore_parallel>], iteration_bounds = array<i64: 2, 16>, scalar_prefetch = 0 : i64, scratch_operands = 18 : i64, tpu.core_type = #tpu.core_type<sc_vector_subcore>, window_params = [{transform_indices = #map}, {transform_indices = #map}, {transform_indices = #map}, {transform_indices = #map}, {transform_indices = #map}, {transform_indices = #map1}, {transform_indices = #map1}, {transform_indices = #map}]} {
    %mul3A = arith.constant 2 : i32
    %mul3A_0 = arith.muli %arg1, %mul3A : i32
    %add3A = arith.addi %mul3A_0, %arg0 : i32
    %mul3A_1 = arith.constant 256 : i32
    %mul3A_2 = arith.muli %add3A, %mul3A_1 : i32
    %jit3A = arith.constant 8 : i32
    %div3A = arith.divsi %add3A, %jit3A : i32
    %sign3A = arith.constant 0 : i32
    %sign3A_3 = arith.cmpi sgt, %add3A, %sign3A : i32
    %sign3A_4 = arith.extui %sign3A_3 : i1 to i32
    %sign3A_5 = arith.constant 0 : i32
    %sign3A_6 = arith.cmpi slt, %add3A, %sign3A_5 : i32
    %sign3A_7 = arith.extui %sign3A_6 : i1 to i32
    %sign3A_8 = arith.subi %sign3A_4, %sign3A_7 : i32
    %sign3A_9 = arith.constant 0 : i32
    %sign3A_10 = arith.cmpi sgt, %jit3A, %sign3A_9 : i32
    %sign3A_11 = arith.extui %sign3A_10 : i1 to i32
    %sign3A_12 = arith.constant 0 : i32
    %sign3A_13 = arith.cmpi slt, %jit3A, %sign3A_12 : i32
    %sign3A_14 = arith.extui %sign3A_13 : i1 to i32
    %sign3A_15 = arith.subi %sign3A_11, %sign3A_14 : i32
    %ne3A = arith.cmpi ne, %sign3A_8, %sign3A_15 : i32
    %rem3A = arith.remsi %add3A, %jit3A : i32
    %ne3A_16 = arith.constant 0 : i32
    %ne3A_17 = arith.cmpi ne, %rem3A, %ne3A_16 : i32
    %and3A = arith.andi %ne3A, %ne3A_17 : i1
    %sub3A = arith.constant 1 : i32
    %sub3A_18 = arith.subi %div3A, %sub3A : i32
    %select_n3A = arith.select %and3A, %sub3A_18, %div3A : i32
    %rem3A_19 = arith.constant 2048 : i32
    %rem3A_20 = arith.remsi %mul3A_2, %rem3A_19 : i32
    %add3A_21 = arith.constant 0 : i32
    %add3A_22 = arith.addi %rem3A_20, %add3A_21 : i32
    %dma_start3A = arith.constant 0 : i32
    %dma_start3A_23 = arith.constant 0 : i32
    %dma_start3A_24 = tpu.memref_slice %arg10[%dma_start3A, %dma_start3A_23] : memref<2x128xi32, #tpu.memory_space<vmem>> -> memref<1x128xi32, #tpu.memory_space<vmem>>
    %dma_start3A_25 = tpu.memref_squeeze %dma_start3A_24 : memref<1x128xi32, #tpu.memory_space<vmem>> -> memref<128xi32, #tpu.memory_space<vmem>>
    %dma_start3A_26 = tpu.memref_slice %arg2[%select_n3A, %add3A_22] : memref<4x2048xi32, #tpu.memory_space<hbm>> -> memref<1x128xi32, #tpu.memory_space<hbm>>
    %dma_start3A_27 = tpu.memref_squeeze %dma_start3A_26 : memref<1x128xi32, #tpu.memory_space<hbm>> -> memref<128xi32, #tpu.memory_space<hbm>>
    %dma_start3A_28 = arith.constant 0 : i32
    %dma_start3A_29 = tpu.memref_slice %arg10[%dma_start3A, %dma_start3A_28] : memref<2x128xi32, #tpu.memory_space<vmem>> -> memref<1x128xi32, #tpu.memory_space<vmem>>
    %dma_start3A_30 = tpu.memref_squeeze %dma_start3A_29 : memref<1x128xi32, #tpu.memory_space<vmem>> -> memref<128xi32, #tpu.memory_space<vmem>>
    %dma_start3A_31 = tpu.memref_slice %arg2[%select_n3A, %add3A_22] : memref<4x2048xi32, #tpu.memory_space<hbm>> -> memref<1x128xi32, #tpu.memory_space<hbm>>
    %dma_start3A_32 = tpu.memref_squeeze %dma_start3A_31 : memref<1x128xi32, #tpu.memory_space<hbm>> -> memref<128xi32, #tpu.memory_space<hbm>>
    tpu.enqueue_dma source(%dma_start3A_32 : memref<128xi32, #tpu.memory_space<hbm>>) target(%dma_start3A_30 : memref<128xi32, #tpu.memory_space<vmem>>) target_semaphore(%arg23 : memref<!tpu.dma_semaphore, #tpu.memory_space<semaphore_mem>>)
    %add3A_33 = arith.constant 128 : i32
    %add3A_34 = arith.addi %rem3A_20, %add3A_33 : i32
    %dma_start3A_35 = arith.constant 1 : i32
    %dma_start3A_36 = arith.constant 0 : i32
    %dma_start3A_37 = tpu.memref_slice %arg10[%dma_start3A_35, %dma_start3A_36] : memref<2x128xi32, #tpu.memory_space<vmem>> -> memref<1x128xi32, #tpu.memory_space<vmem>>
    %dma_start3A_38 = tpu.memref_squeeze %dma_start3A_37 : memref<1x128xi32, #tpu.memory_space<vmem>> -> memref<128xi32, #tpu.memory_space<vmem>>
    %dma_start3A_39 = tpu.memref_slice %arg2[%select_n3A, %add3A_34] : memref<4x2048xi32, #tpu.memory_space<hbm>> -> memref<1x128xi32, #tpu.memory_space<hbm>>
    %dma_start3A_40 = tpu.memref_squeeze %dma_start3A_39 : memref<1x128xi32, #tpu.memory_space<hbm>> -> memref<128xi32, #tpu.memory_space<hbm>>
    %dma_start3A_41 = arith.constant 0 : i32
    %dma_start3A_42 = tpu.memref_slice %arg10[%dma_start3A_35, %dma_start3A_41] : memref<2x128xi32, #tpu.memory_space<vmem>> -> memref<1x128xi32, #tpu.memory_space<vmem>>
    %dma_start3A_43 = tpu.memref_squeeze %dma_start3A_42 : memref<1x128xi32, #tpu.memory_space<vmem>> -> memref<128xi32, #tpu.memory_space<vmem>>
    %dma_start3A_44 = tpu.memref_slice %arg2[%select_n3A, %add3A_34] : memref<4x2048xi32, #tpu.memory_space<hbm>> -> memref<1x128xi32, #tpu.memory_space<hbm>>
    %dma_start3A_45 = tpu.memref_squeeze %dma_start3A_44 : memref<1x128xi32, #tpu.memory_space<hbm>> -> memref<128xi32, #tpu.memory_space<hbm>>
    tpu.enqueue_dma source(%dma_start3A_45 : memref<128xi32, #tpu.memory_space<hbm>>) target(%dma_start3A_43 : memref<128xi32, #tpu.memory_space<vmem>>) target_semaphore(%arg23 : memref<!tpu.dma_semaphore, #tpu.memory_space<semaphore_mem>>)
    %dma_start3A_46 = tpu.memref_slice %arg3[%select_n3A, %rem3A_20] : memref<4x2048xi32, #tpu.memory_space<hbm>> -> memref<1x256xi32, #tpu.memory_space<hbm>>
    %dma_start3A_47 = tpu.memref_squeeze %dma_start3A_46 : memref<1x256xi32, #tpu.memory_space<hbm>> -> memref<256xi32, #tpu.memory_space<hbm>>
    %dma_start3A_48 = tpu.memref_slice %arg3[%select_n3A, %rem3A_20] : memref<4x2048xi32, #tpu.memory_space<hbm>> -> memref<1x256xi32, #tpu.memory_space<hbm>>
    %dma_start3A_49 = tpu.memref_squeeze %dma_start3A_48 : memref<1x256xi32, #tpu.memory_space<hbm>> -> memref<256xi32, #tpu.memory_space<hbm>>
    tpu.enqueue_dma source(%dma_start3A_49 : memref<256xi32, #tpu.memory_space<hbm>>) target(%arg11 : memref<256xi32, #tpu.memory_space<vmem>>) target_semaphore(%arg23 : memref<!tpu.dma_semaphore, #tpu.memory_space<semaphore_mem>>)
    %dma_start3A_50 = arith.constant 0 : i32
    %dma_start3A_51 = tpu.memref_slice %arg5[%rem3A_20, %dma_start3A_50] : memref<2048x128xf32, #tpu.memory_space<hbm>> -> memref<256x128xf32, #tpu.memory_space<hbm>>
    %dma_start3A_52 = arith.constant 0 : i32
    %dma_start3A_53 = tpu.memref_slice %arg5[%rem3A_20, %dma_start3A_52] : memref<2048x128xf32, #tpu.memory_space<hbm>> -> memref<256x128xf32, #tpu.memory_space<hbm>>
    tpu.enqueue_dma source(%dma_start3A_53 : memref<256x128xf32, #tpu.memory_space<hbm>>) target(%arg14 : memref<256x128xf32, #tpu.memory_space<vmem>>) target_semaphore(%arg24 : memref<!tpu.dma_semaphore, #tpu.memory_space<semaphore_mem>>)
    tpu.enqueue_dma source(%arg7 : memref<128xf32, #tpu.memory_space<hbm>>) target(%arg17 : memref<128xf32, #tpu.memory_space<vmem>>) target_semaphore(%arg24 : memref<!tpu.dma_semaphore, #tpu.memory_space<semaphore_mem>>)
    tpu.enqueue_dma source(%arg8 : memref<128xf32, #tpu.memory_space<hbm>>) target(%arg18 : memref<128xf32, #tpu.memory_space<vmem>>) target_semaphore(%arg24 : memref<!tpu.dma_semaphore, #tpu.memory_space<semaphore_mem>>)
    tpu.enqueue_dma source(%arg6 : memref<2x128xf32, #tpu.memory_space<hbm>>) target(%arg15 : memref<2x128xf32, #tpu.memory_space<vmem>>) target_semaphore(%arg24 : memref<!tpu.dma_semaphore, #tpu.memory_space<semaphore_mem>>)
    %iota3A = tpu.iota {dimensions = array<i32: 0>} : vector<16xi32>
    %broadcast_in_dim3A = arith.constant 0.000000e+00 : f32
    %broadcast_in_dim3A_54 = vector.broadcast %broadcast_in_dim3A : f32 to vector<16xf32>
    %add3A_55 = arith.constant 16 : i32
    %add3A_56 = vector.broadcast %add3A_55 : i32 to vector<16xi32>
    %add3A_57 = arith.addi %iota3A, %add3A_56 : vector<16xi32>
    tpu.vector_store_idx %arg19[%add3A_57], %broadcast_in_dim3A_54 : memref<272xf32, #tpu.memory_space<vmem>>[vector<16xi32>], vector<16xf32>,
    %add3A_58 = arith.constant 16 : i32
    %add3A_59 = vector.broadcast %add3A_58 : i32 to vector<16xi32>
    %add3A_60 = arith.addi %iota3A, %add3A_59 : vector<16xi32>
    tpu.vector_store_idx %arg20[%add3A_60], %broadcast_in_dim3A_54 : memref<272xf32, #tpu.memory_space<vmem>>[vector<16xi32>], vector<16xf32>,
    %add3A_61 = arith.constant 32 : i32
    %add3A_62 = vector.broadcast %add3A_61 : i32 to vector<16xi32>
    %add3A_63 = arith.addi %iota3A, %add3A_62 : vector<16xi32>
    tpu.vector_store_idx %arg19[%add3A_63], %broadcast_in_dim3A_54 : memref<272xf32, #tpu.memory_space<vmem>>[vector<16xi32>], vector<16xf32>,
    %add3A_64 = arith.constant 32 : i32
    %add3A_65 = vector.broadcast %add3A_64 : i32 to vector<16xi32>
    %add3A_66 = arith.addi %iota3A, %add3A_65 : vector<16xi32>
    tpu.vector_store_idx %arg20[%add3A_66], %broadcast_in_dim3A_54 : memref<272xf32, #tpu.memory_space<vmem>>[vector<16xi32>], vector<16xf32>,
    %add3A_67 = arith.constant 48 : i32
    %add3A_68 = vector.broadcast %add3A_67 : i32 to vector<16xi32>
    %add3A_69 = arith.addi %iota3A, %add3A_68 : vector<16xi32>
    tpu.vector_store_idx %arg19[%add3A_69], %broadcast_in_dim3A_54 : memref<272xf32, #tpu.memory_space<vmem>>[vector<16xi32>], vector<16xf32>,
    %add3A_70 = arith.constant 48 : i32
    %add3A_71 = vector.broadcast %add3A_70 : i32 to vector<16xi32>
    %add3A_72 = arith.addi %iota3A, %add3A_71 : vector<16xi32>
    tpu.vector_store_idx %arg20[%add3A_72], %broadcast_in_dim3A_54 : memref<272xf32, #tpu.memory_space<vmem>>[vector<16xi32>], vector<16xf32>,
    %add3A_73 = arith.constant 64 : i32
    %add3A_74 = vector.broadcast %add3A_73 : i32 to vector<16xi32>
    %add3A_75 = arith.addi %iota3A, %add3A_74 : vector<16xi32>
    tpu.vector_store_idx %arg19[%add3A_75], %broadcast_in_dim3A_54 : memref<272xf32, #tpu.memory_space<vmem>>[vector<16xi32>], vector<16xf32>,
    %add3A_76 = arith.constant 64 : i32
    %add3A_77 = vector.broadcast %add3A_76 : i32 to vector<16xi32>
    %add3A_78 = arith.addi %iota3A, %add3A_77 : vector<16xi32>
    tpu.vector_store_idx %arg20[%add3A_78], %broadcast_in_dim3A_54 : memref<272xf32, #tpu.memory_space<vmem>>[vector<16xi32>], vector<16xf32>,
    %add3A_79 = arith.constant 80 : i32
    %add3A_80 = vector.broadcast %add3A_79 : i32 to vector<16xi32>
    %add3A_81 = arith.addi %iota3A, %add3A_80 : vector<16xi32>
    tpu.vector_store_idx %arg19[%add3A_81], %broadcast_in_dim3A_54 : memref<272xf32, #tpu.memory_space<vmem>>[vector<16xi32>], vector<16xf32>,
    %add3A_82 = arith.constant 80 : i32
    %add3A_83 = vector.broadcast %add3A_82 : i32 to vector<16xi32>
    %add3A_84 = arith.addi %iota3A, %add3A_83 : vector<16xi32>
    tpu.vector_store_idx %arg20[%add3A_84], %broadcast_in_dim3A_54 : memref<272xf32, #tpu.memory_space<vmem>>[vector<16xi32>], vector<16xf32>,
    %add3A_85 = arith.constant 96 : i32
    %add3A_86 = vector.broadcast %add3A_85 : i32 to vector<16xi32>
    %add3A_87 = arith.addi %iota3A, %add3A_86 : vector<16xi32>
    tpu.vector_store_idx %arg19[%add3A_87], %broadcast_in_dim3A_54 : memref<272xf32, #tpu.memory_space<vmem>>[vector<16xi32>], vector<16xf32>,
    %add3A_88 = arith.constant 96 : i32
    %add3A_89 = vector.broadcast %add3A_88 : i32 to vector<16xi32>
    %add3A_90 = arith.addi %iota3A, %add3A_89 : vector<16xi32>
    tpu.vector_store_idx %arg20[%add3A_90], %broadcast_in_dim3A_54 : memref<272xf32, #tpu.memory_space<vmem>>[vector<16xi32>], vector<16xf32>,
    %add3A_91 = arith.constant 112 : i32
    %add3A_92 = vector.broadcast %add3A_91 : i32 to vector<16xi32>
    %add3A_93 = arith.addi %iota3A, %add3A_92 : vector<16xi32>
    tpu.vector_store_idx %arg19[%add3A_93], %broadcast_in_dim3A_54 : memref<272xf32, #tpu.memory_space<vmem>>[vector<16xi32>], vector<16xf32>,
    %add3A_94 = arith.constant 112 : i32
    %add3A_95 = vector.broadcast %add3A_94 : i32 to vector<16xi32>
    %add3A_96 = arith.addi %iota3A, %add3A_95 : vector<16xi32>
    tpu.vector_store_idx %arg20[%add3A_96], %broadcast_in_dim3A_54 : memref<272xf32, #tpu.memory_space<vmem>>[vector<16xi32>], vector<16xf32>,
    %add3A_97 = arith.constant 128 : i32
    %add3A_98 = vector.broadcast %add3A_97 : i32 to vector<16xi32>
    %add3A_99 = arith.addi %iota3A, %add3A_98 : vector<16xi32>
    tpu.vector_store_idx %arg19[%add3A_99], %broadcast_in_dim3A_54 : memref<272xf32, #tpu.memory_space<vmem>>[vector<16xi32>], vector<16xf32>,
    %add3A_100 = arith.constant 128 : i32
    %add3A_101 = vector.broadcast %add3A_100 : i32 to vector<16xi32>
    %add3A_102 = arith.addi %iota3A, %add3A_101 : vector<16xi32>
    tpu.vector_store_idx %arg20[%add3A_102], %broadcast_in_dim3A_54 : memref<272xf32, #tpu.memory_space<vmem>>[vector<16xi32>], vector<16xf32>,
    %add3A_103 = arith.constant 144 : i32
    %add3A_104 = vector.broadcast %add3A_103 : i32 to vector<16xi32>
    %add3A_105 = arith.addi %iota3A, %add3A_104 : vector<16xi32>
    tpu.vector_store_idx %arg19[%add3A_105], %broadcast_in_dim3A_54 : memref<272xf32, #tpu.memory_space<vmem>>[vector<16xi32>], vector<16xf32>,
    %add3A_106 = arith.constant 144 : i32
    %add3A_107 = vector.broadcast %add3A_106 : i32 to vector<16xi32>
    %add3A_108 = arith.addi %iota3A, %add3A_107 : vector<16xi32>
    tpu.vector_store_idx %arg20[%add3A_108], %broadcast_in_dim3A_54 : memref<272xf32, #tpu.memory_space<vmem>>[vector<16xi32>], vector<16xf32>,
    %add3A_109 = arith.constant 160 : i32
    %add3A_110 = vector.broadcast %add3A_109 : i32 to vector<16xi32>
    %add3A_111 = arith.addi %iota3A, %add3A_110 : vector<16xi32>
    tpu.vector_store_idx %arg19[%add3A_111], %broadcast_in_dim3A_54 : memref<272xf32, #tpu.memory_space<vmem>>[vector<16xi32>], vector<16xf32>,
    %add3A_112 = arith.constant 160 : i32
    %add3A_113 = vector.broadcast %add3A_112 : i32 to vector<16xi32>
    %add3A_114 = arith.addi %iota3A, %add3A_113 : vector<16xi32>
    tpu.vector_store_idx %arg20[%add3A_114], %broadcast_in_dim3A_54 : memref<272xf32, #tpu.memory_space<vmem>>[vector<16xi32>], vector<16xf32>,
    %add3A_115 = arith.constant 176 : i32
    %add3A_116 = vector.broadcast %add3A_115 : i32 to vector<16xi32>
    %add3A_117 = arith.addi %iota3A, %add3A_116 : vector<16xi32>
    tpu.vector_store_idx %arg19[%add3A_117], %broadcast_in_dim3A_54 : memref<272xf32, #tpu.memory_space<vmem>>[vector<16xi32>], vector<16xf32>,
    %add3A_118 = arith.constant 176 : i32
    %add3A_119 = vector.broadcast %add3A_118 : i32 to vector<16xi32>
    %add3A_120 = arith.addi %iota3A, %add3A_119 : vector<16xi32>
    tpu.vector_store_idx %arg20[%add3A_120], %broadcast_in_dim3A_54 : memref<272xf32, #tpu.memory_space<vmem>>[vector<16xi32>], vector<16xf32>,
    %add3A_121 = arith.constant 192 : i32
    %add3A_122 = vector.broadcast %add3A_121 : i32 to vector<16xi32>
    %add3A_123 = arith.addi %iota3A, %add3A_122 : vector<16xi32>
    tpu.vector_store_idx %arg19[%add3A_123], %broadcast_in_dim3A_54 : memref<272xf32, #tpu.memory_space<vmem>>[vector<16xi32>], vector<16xf32>,
    %add3A_124 = arith.constant 192 : i32
    %add3A_125 = vector.broadcast %add3A_124 : i32 to vector<16xi32>
    %add3A_126 = arith.addi %iota3A, %add3A_125 : vector<16xi32>
    tpu.vector_store_idx %arg20[%add3A_126], %broadcast_in_dim3A_54 : memref<272xf32, #tpu.memory_space<vmem>>[vector<16xi32>], vector<16xf32>,
    %add3A_127 = arith.constant 208 : i32
    %add3A_128 = vector.broadcast %add3A_127 : i32 to vector<16xi32>
    %add3A_129 = arith.addi %iota3A, %add3A_128 : vector<16xi32>
    tpu.vector_store_idx %arg19[%add3A_129], %broadcast_in_dim3A_54 : memref<272xf32, #tpu.memory_space<vmem>>[vector<16xi32>], vector<16xf32>,
    %add3A_130 = arith.constant 208 : i32
    %add3A_131 = vector.broadcast %add3A_130 : i32 to vector<16xi32>
    %add3A_132 = arith.addi %iota3A, %add3A_131 : vector<16xi32>
    tpu.vector_store_idx %arg20[%add3A_132], %broadcast_in_dim3A_54 : memref<272xf32, #tpu.memory_space<vmem>>[vector<16xi32>], vector<16xf32>,
    %add3A_133 = arith.constant 224 : i32
    %add3A_134 = vector.broadcast %add3A_133 : i32 to vector<16xi32>
    %add3A_135 = arith.addi %iota3A, %add3A_134 : vector<16xi32>
    tpu.vector_store_idx %arg19[%add3A_135], %broadcast_in_dim3A_54 : memref<272xf32, #tpu.memory_space<vmem>>[vector<16xi32>], vector<16xf32>,
    %add3A_136 = arith.constant 224 : i32
    %add3A_137 = vector.broadcast %add3A_136 : i32 to vector<16xi32>
    %add3A_138 = arith.addi %iota3A, %add3A_137 : vector<16xi32>
    tpu.vector_store_idx %arg20[%add3A_138], %broadcast_in_dim3A_54 : memref<272xf32, #tpu.memory_space<vmem>>[vector<16xi32>], vector<16xf32>,
    %add3A_139 = arith.constant 240 : i32
    %add3A_140 = vector.broadcast %add3A_139 : i32 to vector<16xi32>
    %add3A_141 = arith.addi %iota3A, %add3A_140 : vector<16xi32>
    tpu.vector_store_idx %arg19[%add3A_141], %broadcast_in_dim3A_54 : memref<272xf32, #tpu.memory_space<vmem>>[vector<16xi32>], vector<16xf32>,
    %add3A_142 = arith.constant 240 : i32
    %add3A_143 = vector.broadcast %add3A_142 : i32 to vector<16xi32>
    %add3A_144 = arith.addi %iota3A, %add3A_143 : vector<16xi32>
    tpu.vector_store_idx %arg20[%add3A_144], %broadcast_in_dim3A_54 : memref<272xf32, #tpu.memory_space<vmem>>[vector<16xi32>], vector<16xf32>,
    %add3A_145 = arith.constant 256 : i32
    %add3A_146 = vector.broadcast %add3A_145 : i32 to vector<16xi32>
    %add3A_147 = arith.addi %iota3A, %add3A_146 : vector<16xi32>
    tpu.vector_store_idx %arg19[%add3A_147], %broadcast_in_dim3A_54 : memref<272xf32, #tpu.memory_space<vmem>>[vector<16xi32>], vector<16xf32>,
    %add3A_148 = arith.constant 256 : i32
    %add3A_149 = vector.broadcast %add3A_148 : i32 to vector<16xi32>
    %add3A_150 = arith.addi %iota3A, %add3A_149 : vector<16xi32>
    tpu.vector_store_idx %arg20[%add3A_150], %broadcast_in_dim3A_54 : memref<272xf32, #tpu.memory_space<vmem>>[vector<16xi32>], vector<16xf32>,
    %dma_wait3A = arith.constant 0 : i32
    %dma_wait3A_151 = arith.constant 0 : i32
    %dma_wait3A_152 = tpu.memref_slice %arg10[%dma_wait3A, %dma_wait3A_151] : memref<2x128xi32, #tpu.memory_space<vmem>> -> memref<1x128xi32, #tpu.memory_space<vmem>>
    %dma_wait3A_153 = tpu.memref_squeeze %dma_wait3A_152 : memref<1x128xi32, #tpu.memory_space<vmem>> -> memref<128xi32, #tpu.memory_space<vmem>>
    %dma_wait3A_154 = tpu.memref_slice %arg2[%select_n3A, %add3A_22] : memref<4x2048xi32, #tpu.memory_space<hbm>> -> memref<1x128xi32, #tpu.memory_space<hbm>>
    %dma_wait3A_155 = tpu.memref_squeeze %dma_wait3A_154 : memref<1x128xi32, #tpu.memory_space<hbm>> -> memref<128xi32, #tpu.memory_space<hbm>>
    %dma_wait3A_156 = arith.constant 0 : i32
    %dma_wait3A_157 = tpu.memref_slice %arg10[%dma_wait3A, %dma_wait3A_156] : memref<2x128xi32, #tpu.memory_space<vmem>> -> memref<1x128xi32, #tpu.memory_space<vmem>>
    %dma_wait3A_158 = tpu.memref_squeeze %dma_wait3A_157 : memref<1x128xi32, #tpu.memory_space<vmem>> -> memref<128xi32, #tpu.memory_space<vmem>>
    %dma_wait3A_159 = tpu.memref_slice %arg2[%select_n3A, %add3A_22] : memref<4x2048xi32, #tpu.memory_space<hbm>> -> memref<1x128xi32, #tpu.memory_space<hbm>>
    %dma_wait3A_160 = tpu.memref_squeeze %dma_wait3A_159 : memref<1x128xi32, #tpu.memory_space<hbm>> -> memref<128xi32, #tpu.memory_space<hbm>>
    tpu.wait_dma2 semaphore(%arg23 : memref<!tpu.dma_semaphore, #tpu.memory_space<semaphore_mem>>) src(%dma_wait3A_160 : memref<128xi32, #tpu.memory_space<hbm>>) dst(%dma_wait3A_158 : memref<128xi32, #tpu.memory_space<vmem>>)
    %dma_wait3A_161 = arith.constant 1 : i32
    %dma_wait3A_162 = arith.constant 0 : i32
    %dma_wait3A_163 = tpu.memref_slice %arg10[%dma_wait3A_161, %dma_wait3A_162] : memref<2x128xi32, #tpu.memory_space<vmem>> -> memref<1x128xi32, #tpu.memory_space<vmem>>
    %dma_wait3A_164 = tpu.memref_squeeze %dma_wait3A_163 : memref<1x128xi32, #tpu.memory_space<vmem>> -> memref<128xi32, #tpu.memory_space<vmem>>
    %dma_wait3A_165 = tpu.memref_slice %arg2[%select_n3A, %add3A_34] : memref<4x2048xi32, #tpu.memory_space<hbm>> -> memref<1x128xi32, #tpu.memory_space<hbm>>
    %dma_wait3A_166 = tpu.memref_squeeze %dma_wait3A_165 : memref<1x128xi32, #tpu.memory_space<hbm>> -> memref<128xi32, #tpu.memory_space<hbm>>
    %dma_wait3A_167 = arith.constant 0 : i32
    %dma_wait3A_168 = tpu.memref_slice %arg10[%dma_wait3A_161, %dma_wait3A_167] : memref<2x128xi32, #tpu.memory_space<vmem>> -> memref<1x128xi32, #tpu.memory_space<vmem>>
    %dma_wait3A_169 = tpu.memref_squeeze %dma_wait3A_168 : memref<1x128xi32, #tpu.memory_space<vmem>> -> memref<128xi32, #tpu.memory_space<vmem>>
    %dma_wait3A_170 = tpu.memref_slice %arg2[%select_n3A, %add3A_34] : memref<4x2048xi32, #tpu.memory_space<hbm>> -> memref<1x128xi32, #tpu.memory_space<hbm>>
    %dma_wait3A_171 = tpu.memref_squeeze %dma_wait3A_170 : memref<1x128xi32, #tpu.memory_space<hbm>> -> memref<128xi32, #tpu.memory_space<hbm>>
    tpu.wait_dma2 semaphore(%arg23 : memref<!tpu.dma_semaphore, #tpu.memory_space<semaphore_mem>>) src(%dma_wait3A_171 : memref<128xi32, #tpu.memory_space<hbm>>) dst(%dma_wait3A_169 : memref<128xi32, #tpu.memory_space<vmem>>)
    %dma_wait3A_172 = tpu.memref_slice %arg3[%select_n3A, %rem3A_20] : memref<4x2048xi32, #tpu.memory_space<hbm>> -> memref<1x256xi32, #tpu.memory_space<hbm>>
    %dma_wait3A_173 = tpu.memref_squeeze %dma_wait3A_172 : memref<1x256xi32, #tpu.memory_space<hbm>> -> memref<256xi32, #tpu.memory_space<hbm>>
    %dma_wait3A_174 = tpu.memref_slice %arg3[%select_n3A, %rem3A_20] : memref<4x2048xi32, #tpu.memory_space<hbm>> -> memref<1x256xi32, #tpu.memory_space<hbm>>
    %dma_wait3A_175 = tpu.memref_squeeze %dma_wait3A_174 : memref<1x256xi32, #tpu.memory_space<hbm>> -> memref<256xi32, #tpu.memory_space<hbm>>
    tpu.wait_dma2 semaphore(%arg23 : memref<!tpu.dma_semaphore, #tpu.memory_space<semaphore_mem>>) src(%dma_wait3A_175 : memref<256xi32, #tpu.memory_space<hbm>>) dst(%arg11 : memref<256xi32, #tpu.memory_space<vmem>>)
    %dma_start3A_176 = arith.constant 0 : i32
    %dma_start3A_177 = arith.constant 0 : i32
    %dma_start3A_178 = arith.constant 0 : i32
    %dma_start3A_179 = tpu.memref_slice %arg12[%dma_start3A_177, %dma_start3A_178] : memref<256x128xf32, #tpu.memory_space<vmem>> -> memref<128x128xf32, #tpu.memory_space<vmem>>
    %dma_start3A_180 = arith.constant 0 : i32
    %dma_start3A_181 = tpu.memref_slice %arg10[%dma_start3A_176, %dma_start3A_180] : memref<2x128xi32, #tpu.memory_space<vmem>> -> memref<1x128xi32, #tpu.memory_space<vmem>>
    %dma_start3A_182 = tpu.memref_squeeze %dma_start3A_181 : memref<1x128xi32, #tpu.memory_space<vmem>> -> memref<128xi32, #tpu.memory_space<vmem>>
    %dma_start3A_183 = arith.constant 0 : i32
    %dma_start3A_184 = arith.constant 0 : i32
    %dma_start3A_185 = tpu.memref_slice %arg4[%dma_start3A_183, %dma_start3A_184] : memref<100000x128xf32, #tpu.memory_space<hbm>> -> memref<100000x128xf32, #tpu.memory_space<hbm>>
    tpu.enqueue_indirect_dma source(%dma_start3A_185 : memref<100000x128xf32, #tpu.memory_space<hbm>>) target(%dma_start3A_179 : memref<128x128xf32, #tpu.memory_space<vmem>>) offsets(%dma_start3A_182 : memref<128xi32, #tpu.memory_space<vmem>>) semaphore(%arg25 : memref<!tpu.dma_semaphore, #tpu.memory_space<semaphore_mem>>)
    %dma_start3A_186 = arith.constant 1 : i32
    %dma_start3A_187 = arith.constant 128 : i32
    %dma_start3A_188 = arith.constant 0 : i32
    %dma_start3A_189 = tpu.memref_slice %arg12[%dma_start3A_187, %dma_start3A_188] : memref<256x128xf32, #tpu.memory_space<vmem>> -> memref<128x128xf32, #tpu.memory_space<vmem>>
    %dma_start3A_190 = arith.constant 0 : i32
    %dma_start3A_191 = tpu.memref_slice %arg10[%dma_start3A_186, %dma_start3A_190] : memref<2x128xi32, #tpu.memory_space<vmem>> -> memref<1x128xi32, #tpu.memory_space<vmem>>
    %dma_start3A_192 = tpu.memref_squeeze %dma_start3A_191 : memref<1x128xi32, #tpu.memory_space<vmem>> -> memref<128xi32, #tpu.memory_space<vmem>>
    %dma_start3A_193 = arith.constant 0 : i32
    %dma_start3A_194 = arith.constant 0 : i32
    %dma_start3A_195 = tpu.memref_slice %arg4[%dma_start3A_193, %dma_start3A_194] : memref<100000x128xf32, #tpu.memory_space<hbm>> -> memref<100000x128xf32, #tpu.memory_space<hbm>>
    tpu.enqueue_indirect_dma source(%dma_start3A_195 : memref<100000x128xf32, #tpu.memory_space<hbm>>) target(%dma_start3A_189 : memref<128x128xf32, #tpu.memory_space<vmem>>) offsets(%dma_start3A_192 : memref<128xi32, #tpu.memory_space<vmem>>) semaphore(%arg26 : memref<!tpu.dma_semaphore, #tpu.memory_space<semaphore_mem>>)
    %dma_wait3A_196 = arith.constant 0 : i32
    %dma_wait3A_197 = tpu.memref_slice %arg5[%rem3A_20, %dma_wait3A_196] : memref<2048x128xf32, #tpu.memory_space<hbm>> -> memref<256x128xf32, #tpu.memory_space<hbm>>
    %dma_wait3A_198 = arith.constant 0 : i32
    %dma_wait3A_199 = tpu.memref_slice %arg5[%rem3A_20, %dma_wait3A_198] : memref<2048x128xf32, #tpu.memory_space<hbm>> -> memref<256x128xf32, #tpu.memory_space<hbm>>
    tpu.wait_dma2 semaphore(%arg24 : memref<!tpu.dma_semaphore, #tpu.memory_space<semaphore_mem>>) src(%dma_wait3A_199 : memref<256x128xf32, #tpu.memory_space<hbm>>) dst(%arg14 : memref<256x128xf32, #tpu.memory_space<vmem>>)
    tpu.wait_dma2 semaphore(%arg24 : memref<!tpu.dma_semaphore, #tpu.memory_space<semaphore_mem>>) src(%arg7 : memref<128xf32, #tpu.memory_space<hbm>>) dst(%arg17 : memref<128xf32, #tpu.memory_space<vmem>>)
    tpu.wait_dma2 semaphore(%arg24 : memref<!tpu.dma_semaphore, #tpu.memory_space<semaphore_mem>>) src(%arg8 : memref<128xf32, #tpu.memory_space<hbm>>) dst(%arg18 : memref<128xf32, #tpu.memory_space<vmem>>)
    tpu.wait_dma2 semaphore(%arg24 : memref<!tpu.dma_semaphore, #tpu.memory_space<semaphore_mem>>) src(%arg6 : memref<2x128xf32, #tpu.memory_space<hbm>>) dst(%arg15 : memref<2x128xf32, #tpu.memory_space<vmem>>)
    %get3A = arith.constant 0 : index
    %get3A_200 = tpu.vector_load %arg11[%get3A] {strides = array<i32>} : memref<256xi32, #tpu.memory_space<vmem>>, vector<16xi32>,
    %convert_element_type3A = arith.sitofp %get3A_200 : vector<16xi32> to vector<16xf32>
    %swap3A = arith.constant 1 : index
    %swap3A_201 = tpu.vector_load %arg16[%swap3A] {strides = array<i32>} : memref<264xf32, #tpu.memory_space<vmem>>, vector<16xf32>,
    tpu.vector_store %arg16[%swap3A], %convert_element_type3A {strides = array<i32>} : memref<264xf32, #tpu.memory_space<vmem>>, vector<16xf32>,
    %get3A_202 = arith.constant 16 : index
    %get3A_203 = tpu.vector_load %arg11[%get3A_202] {strides = array<i32>} : memref<256xi32, #tpu.memory_space<vmem>>, vector<16xi32>,
    %convert_element_type3A_204 = arith.sitofp %get3A_203 : vector<16xi32> to vector<16xf32>
    %swap3A_205 = arith.constant 17 : index
    %swap3A_206 = tpu.vector_load %arg16[%swap3A_205] {strides = array<i32>} : memref<264xf32, #tpu.memory_space<vmem>>, vector<16xf32>,
    tpu.vector_store %arg16[%swap3A_205], %convert_element_type3A_204 {strides = array<i32>} : memref<264xf32, #tpu.memory_space<vmem>>, vector<16xf32>,
    %get3A_207 = arith.constant 32 : index
    %get3A_208 = tpu.vector_load %arg11[%get3A_207] {strides = array<i32>} : memref<256xi32, #tpu.memory_space<vmem>>, vector<16xi32>,
    %convert_element_type3A_209 = arith.sitofp %get3A_208 : vector<16xi32> to vector<16xf32>
    %swap3A_210 = arith.constant 33 : index
    %swap3A_211 = tpu.vector_load %arg16[%swap3A_210] {strides = array<i32>} : memref<264xf32, #tpu.memory_space<vmem>>, vector<16xf32>,
    tpu.vector_store %arg16[%swap3A_210], %convert_element_type3A_209 {strides = array<i32>} : memref<264xf32, #tpu.memory_space<vmem>>, vector<16xf32>,
    %get3A_212 = arith.constant 48 : index
    %get3A_213 = tpu.vector_load %arg11[%get3A_212] {strides = array<i32>} : memref<256xi32, #tpu.memory_space<vmem>>, vector<16xi32>,
    %convert_element_type3A_214 = arith.sitofp %get3A_213 : vector<16xi32> to vector<16xf32>
    %swap3A_215 = arith.constant 49 : index
    %swap3A_216 = tpu.vector_load %arg16[%swap3A_215] {strides = array<i32>} : memref<264xf32, #tpu.memory_space<vmem>>, vector<16xf32>,
    tpu.vector_store %arg16[%swap3A_215], %convert_element_type3A_214 {strides = array<i32>} : memref<264xf32, #tpu.memory_space<vmem>>, vector<16xf32>,
    %get3A_217 = arith.constant 64 : index
    %get3A_218 = tpu.vector_load %arg11[%get3A_217] {strides = array<i32>} : memref<256xi32, #tpu.memory_space<vmem>>, vector<16xi32>,
    %convert_element_type3A_219 = arith.sitofp %get3A_218 : vector<16xi32> to vector<16xf32>
    %swap3A_220 = arith.constant 65 : index
    %swap3A_221 = tpu.vector_load %arg16[%swap3A_220] {strides = array<i32>} : memref<264xf32, #tpu.memory_space<vmem>>, vector<16xf32>,
    tpu.vector_store %arg16[%swap3A_220], %convert_element_type3A_219 {strides = array<i32>} : memref<264xf32, #tpu.memory_space<vmem>>, vector<16xf32>,
    %get3A_222 = arith.constant 80 : index
    %get3A_223 = tpu.vector_load %arg11[%get3A_222] {strides = array<i32>} : memref<256xi32, #tpu.memory_space<vmem>>, vector<16xi32>,
    %convert_element_type3A_224 = arith.sitofp %get3A_223 : vector<16xi32> to vector<16xf32>
    %swap3A_225 = arith.constant 81 : index
    %swap3A_226 = tpu.vector_load %arg16[%swap3A_225] {strides = array<i32>} : memref<264xf32, #tpu.memory_space<vmem>>, vector<16xf32>,
    tpu.vector_store %arg16[%swap3A_225], %convert_element_type3A_224 {strides = array<i32>} : memref<264xf32, #tpu.memory_space<vmem>>, vector<16xf32>,
    %get3A_227 = arith.constant 96 : index
    %get3A_228 = tpu.vector_load %arg11[%get3A_227] {strides = array<i32>} : memref<256xi32, #tpu.memory_space<vmem>>, vector<16xi32>,
    %convert_element_type3A_229 = arith.sitofp %get3A_228 : vector<16xi32> to vector<16xf32>
    %swap3A_230 = arith.constant 97 : index
    %swap3A_231 = tpu.vector_load %arg16[%swap3A_230] {strides = array<i32>} : memref<264xf32, #tpu.memory_space<vmem>>, vector<16xf32>,
    tpu.vector_store %arg16[%swap3A_230], %convert_element_type3A_229 {strides = array<i32>} : memref<264xf32, #tpu.memory_space<vmem>>, vector<16xf32>,
    %get3A_232 = arith.constant 112 : index
    %get3A_233 = tpu.vector_load %arg11[%get3A_232] {strides = array<i32>} : memref<256xi32, #tpu.memory_space<vmem>>, vector<16xi32>,
    %convert_element_type3A_234 = arith.sitofp %get3A_233 : vector<16xi32> to vector<16xf32>
    %swap3A_235 = arith.constant 113 : index
    %swap3A_236 = tpu.vector_load %arg16[%swap3A_235] {strides = array<i32>} : memref<264xf32, #tpu.memory_space<vmem>>, vector<16xf32>,
    tpu.vector_store %arg16[%swap3A_235], %convert_element_type3A_234 {strides = array<i32>} : memref<264xf32, #tpu.memory_space<vmem>>, vector<16xf32>,
    %get3A_237 = arith.constant 128 : index
    %get3A_238 = tpu.vector_load %arg11[%get3A_237] {strides = array<i32>} : memref<256xi32, #tpu.memory_space<vmem>>, vector<16xi32>,
    %convert_element_type3A_239 = arith.sitofp %get3A_238 : vector<16xi32> to vector<16xf32>
    %swap3A_240 = arith.constant 129 : index
    %swap3A_241 = tpu.vector_load %arg16[%swap3A_240] {strides = array<i32>} : memref<264xf32, #tpu.memory_space<vmem>>, vector<16xf32>,
    tpu.vector_store %arg16[%swap3A_240], %convert_element_type3A_239 {strides = array<i32>} : memref<264xf32, #tpu.memory_space<vmem>>, vector<16xf32>,
    %get3A_242 = arith.constant 144 : index
    %get3A_243 = tpu.vector_load %arg11[%get3A_242] {strides = array<i32>} : memref<256xi32, #tpu.memory_space<vmem>>, vector<16xi32>,
    %convert_element_type3A_244 = arith.sitofp %get3A_243 : vector<16xi32> to vector<16xf32>
    %swap3A_245 = arith.constant 145 : index
    %swap3A_246 = tpu.vector_load %arg16[%swap3A_245] {strides = array<i32>} : memref<264xf32, #tpu.memory_space<vmem>>, vector<16xf32>,
    tpu.vector_store %arg16[%swap3A_245], %convert_element_type3A_244 {strides = array<i32>} : memref<264xf32, #tpu.memory_space<vmem>>, vector<16xf32>,
    %get3A_247 = arith.constant 160 : index
    %get3A_248 = tpu.vector_load %arg11[%get3A_247] {strides = array<i32>} : memref<256xi32, #tpu.memory_space<vmem>>, vector<16xi32>,
    %convert_element_type3A_249 = arith.sitofp %get3A_248 : vector<16xi32> to vector<16xf32>
    %swap3A_250 = arith.constant 161 : index
    %swap3A_251 = tpu.vector_load %arg16[%swap3A_250] {strides = array<i32>} : memref<264xf32, #tpu.memory_space<vmem>>, vector<16xf32>,
    tpu.vector_store %arg16[%swap3A_250], %convert_element_type3A_249 {strides = array<i32>} : memref<264xf32, #tpu.memory_space<vmem>>, vector<16xf32>,
    %get3A_252 = arith.constant 176 : index
    %get3A_253 = tpu.vector_load %arg11[%get3A_252] {strides = array<i32>} : memref<256xi32, #tpu.memory_space<vmem>>, vector<16xi32>,
    %convert_element_type3A_254 = arith.sitofp %get3A_253 : vector<16xi32> to vector<16xf32>
    %swap3A_255 = arith.constant 177 : index
    %swap3A_256 = tpu.vector_load %arg16[%swap3A_255] {strides = array<i32>} : memref<264xf32, #tpu.memory_space<vmem>>, vector<16xf32>,
    tpu.vector_store %arg16[%swap3A_255], %convert_element_type3A_254 {strides = array<i32>} : memref<264xf32, #tpu.memory_space<vmem>>, vector<16xf32>,
    %get3A_257 = arith.constant 192 : index
    %get3A_258 = tpu.vector_load %arg11[%get3A_257] {strides = array<i32>} : memref<256xi32, #tpu.memory_space<vmem>>, vector<16xi32>,
    %convert_element_type3A_259 = arith.sitofp %get3A_258 : vector<16xi32> to vector<16xf32>
    %swap3A_260 = arith.constant 193 : index
    %swap3A_261 = tpu.vector_load %arg16[%swap3A_260] {strides = array<i32>} : memref<264xf32, #tpu.memory_space<vmem>>, vector<16xf32>,
    tpu.vector_store %arg16[%swap3A_260], %convert_element_type3A_259 {strides = array<i32>} : memref<264xf32, #tpu.memory_space<vmem>>, vector<16xf32>,
    %get3A_262 = arith.constant 208 : index
    %get3A_263 = tpu.vector_load %arg11[%get3A_262] {strides = array<i32>} : memref<256xi32, #tpu.memory_space<vmem>>, vector<16xi32>,
    %convert_element_type3A_264 = arith.sitofp %get3A_263 : vector<16xi32> to vector<16xf32>
    %swap3A_265 = arith.constant 209 : index
    %swap3A_266 = tpu.vector_load %arg16[%swap3A_265] {strides = array<i32>} : memref<264xf32, #tpu.memory_space<vmem>>, vector<16xf32>,
    tpu.vector_store %arg16[%swap3A_265], %convert_element_type3A_264 {strides = array<i32>} : memref<264xf32, #tpu.memory_space<vmem>>, vector<16xf32>,
    %get3A_267 = arith.constant 224 : index
    %get3A_268 = tpu.vector_load %arg11[%get3A_267] {strides = array<i32>} : memref<256xi32, #tpu.memory_space<vmem>>, vector<16xi32>,
    %convert_element_type3A_269 = arith.sitofp %get3A_268 : vector<16xi32> to vector<16xf32>
    %swap3A_270 = arith.constant 225 : index
    %swap3A_271 = tpu.vector_load %arg16[%swap3A_270] {strides = array<i32>} : memref<264xf32, #tpu.memory_space<vmem>>, vector<16xf32>,
    tpu.vector_store %arg16[%swap3A_270], %convert_element_type3A_269 {strides = array<i32>} : memref<264xf32, #tpu.memory_space<vmem>>, vector<16xf32>,
    %get3A_272 = arith.constant 240 : index
    %get3A_273 = tpu.vector_load %arg11[%get3A_272] {strides = array<i32>} : memref<256xi32, #tpu.memory_space<vmem>>, vector<16xi32>,
    %convert_element_type3A_274 = arith.sitofp %get3A_273 : vector<16xi32> to vector<16xf32>
    %swap3A_275 = arith.constant 241 : index
    %swap3A_276 = tpu.vector_load %arg16[%swap3A_275] {strides = array<i32>} : memref<264xf32, #tpu.memory_space<vmem>>, vector<16xf32>,
    tpu.vector_store %arg16[%swap3A_275], %convert_element_type3A_274 {strides = array<i32>} : memref<264xf32, #tpu.memory_space<vmem>>, vector<16xf32>,
    %get3A_277 = arith.constant 0 : i32
    %get3A_278 = arith.index_cast %get3A_277 : i32 to index
    %get3A_279 = arith.constant 0 : index
    %get3A_280 = tpu.vector_load %arg15[%get3A_278, %get3A_279] {strides = array<i32>} : memref<2x128xf32, #tpu.memory_space<vmem>>, vector<16xf32>,
    %get3A_281 = arith.constant 0 : i32
    %get3A_282 = arith.index_cast %get3A_281 : i32 to index
    %get3A_283 = arith.constant 16 : index
    %get3A_284 = tpu.vector_load %arg15[%get3A_282, %get3A_283] {strides = array<i32>} : memref<2x128xf32, #tpu.memory_space<vmem>>, vector<16xf32>,
    %get3A_285 = arith.constant 0 : i32
    %get3A_286 = arith.index_cast %get3A_285 : i32 to index
    %get3A_287 = arith.constant 32 : index
    %get3A_288 = tpu.vector_load %arg15[%get3A_286, %get3A_287] {strides = array<i32>} : memref<2x128xf32, #tpu.memory_space<vmem>>, vector<16xf32>,
    %get3A_289 = arith.constant 0 : i32
    %get3A_290 = arith.index_cast %get3A_289 : i32 to index
    %get3A_291 = arith.constant 48 : index
    %get3A_292 = tpu.vector_load %arg15[%get3A_290, %get3A_291] {strides = array<i32>} : memref<2x128xf32, #tpu.memory_space<vmem>>, vector<16xf32>,
    %get3A_293 = arith.constant 0 : i32
    %get3A_294 = arith.index_cast %get3A_293 : i32 to index
    %get3A_295 = arith.constant 64 : index
    %get3A_296 = tpu.vector_load %arg15[%get3A_294, %get3A_295] {strides = array<i32>} : memref<2x128xf32, #tpu.memory_space<vmem>>, vector<16xf32>,
    %get3A_297 = arith.constant 0 : i32
    %get3A_298 = arith.index_cast %get3A_297 : i32 to index
    %get3A_299 = arith.constant 80 : index
    %get3A_300 = tpu.vector_load %arg15[%get3A_298, %get3A_299] {strides = array<i32>} : memref<2x128xf32, #tpu.memory_space<vmem>>, vector<16xf32>,
    %get3A_301 = arith.constant 0 : i32
    %get3A_302 = arith.index_cast %get3A_301 : i32 to index
    %get3A_303 = arith.constant 96 : index
    %get3A_304 = tpu.vector_load %arg15[%get3A_302, %get3A_303] {strides = array<i32>} : memref<2x128xf32, #tpu.memory_space<vmem>>, vector<16xf32>,
    %get3A_305 = arith.constant 0 : i32
    %get3A_306 = arith.index_cast %get3A_305 : i32 to index
    %get3A_307 = arith.constant 112 : index
    %get3A_308 = tpu.vector_load %arg15[%get3A_306, %get3A_307] {strides = array<i32>} : memref<2x128xf32, #tpu.memory_space<vmem>>, vector<16xf32>,
    %get3A_309 = arith.constant 1 : i32
    %get3A_310 = arith.index_cast %get3A_309 : i32 to index
    %get3A_311 = arith.constant 0 : index
    %get3A_312 = tpu.vector_load %arg15[%get3A_310, %get3A_311] {strides = array<i32>} : memref<2x128xf32, #tpu.memory_space<vmem>>, vector<16xf32>,
    %sub3A_313 = arith.subf %get3A_312, %get3A_280 : vector<16xf32>
    %get3A_314 = arith.constant 1 : i32
    %get3A_315 = arith.index_cast %get3A_314 : i32 to index
    %get3A_316 = arith.constant 16 : index
    %get3A_317 = tpu.vector_load %arg15[%get3A_315, %get3A_316] {strides = array<i32>} : memref<2x128xf32, #tpu.memory_space<vmem>>, vector<16xf32>,
    %sub3A_318 = arith.subf %get3A_317, %get3A_284 : vector<16xf32>
    %get3A_319 = arith.constant 1 : i32
    %get3A_320 = arith.index_cast %get3A_319 : i32 to index
    %get3A_321 = arith.constant 32 : index
    %get3A_322 = tpu.vector_load %arg15[%get3A_320, %get3A_321] {strides = array<i32>} : memref<2x128xf32, #tpu.memory_space<vmem>>, vector<16xf32>,
    %sub3A_323 = arith.subf %get3A_322, %get3A_288 : vector<16xf32>
    %get3A_324 = arith.constant 1 : i32
    %get3A_325 = arith.index_cast %get3A_324 : i32 to index
    %get3A_326 = arith.constant 48 : index
    %get3A_327 = tpu.vector_load %arg15[%get3A_325, %get3A_326] {strides = array<i32>} : memref<2x128xf32, #tpu.memory_space<vmem>>, vector<16xf32>,
    %sub3A_328 = arith.subf %get3A_327, %get3A_292 : vector<16xf32>
    %get3A_329 = arith.constant 1 : i32
    %get3A_330 = arith.index_cast %get3A_329 : i32 to index
    %get3A_331 = arith.constant 64 : index
    %get3A_332 = tpu.vector_load %arg15[%get3A_330, %get3A_331] {strides = array<i32>} : memref<2x128xf32, #tpu.memory_space<vmem>>, vector<16xf32>,
    %sub3A_333 = arith.subf %get3A_332, %get3A_296 : vector<16xf32>
    %get3A_334 = arith.constant 1 : i32
    %get3A_335 = arith.index_cast %get3A_334 : i32 to index
    %get3A_336 = arith.constant 80 : index
    %get3A_337 = tpu.vector_load %arg15[%get3A_335, %get3A_336] {strides = array<i32>} : memref<2x128xf32, #tpu.memory_space<vmem>>, vector<16xf32>,
    %sub3A_338 = arith.subf %get3A_337, %get3A_300 : vector<16xf32>
    %get3A_339 = arith.constant 1 : i32
    %get3A_340 = arith.index_cast %get3A_339 : i32 to index
    %get3A_341 = arith.constant 96 : index
    %get3A_342 = tpu.vector_load %arg15[%get3A_340, %get3A_341] {strides = array<i32>} : memref<2x128xf32, #tpu.memory_space<vmem>>, vector<16xf32>,
    %sub3A_343 = arith.subf %get3A_342, %get3A_304 : vector<16xf32>
    %get3A_344 = arith.constant 1 : i32
    %get3A_345 = arith.index_cast %get3A_344 : i32 to index
    %get3A_346 = arith.constant 112 : index
    %get3A_347 = tpu.vector_load %arg15[%get3A_345, %get3A_346] {strides = array<i32>} : memref<2x128xf32, #tpu.memory_space<vmem>>, vector<16xf32>,
    %sub3A_348 = arith.subf %get3A_347, %get3A_308 : vector<16xf32>
    %dma_wait3A_349 = arith.constant 0 : i32
    %dma_wait3A_350 = arith.constant 0 : i32
    %dma_wait3A_351 = arith.constant 0 : i32
    %dma_wait3A_352 = tpu.memref_slice %arg12[%dma_wait3A_350, %dma_wait3A_351] : memref<256x128xf32, #tpu.memory_space<vmem>> -> memref<128x128xf32, #tpu.memory_space<vmem>>
    %dma_wait3A_353 = arith.constant 0 : i32
    %dma_wait3A_354 = tpu.memref_slice %arg10[%dma_wait3A_349, %dma_wait3A_353] : memref<2x128xi32, #tpu.memory_space<vmem>> -> memref<1x128xi32, #tpu.memory_space<vmem>>
    %dma_wait3A_355 = tpu.memref_squeeze %dma_wait3A_354 : memref<1x128xi32, #tpu.memory_space<vmem>> -> memref<128xi32, #tpu.memory_space<vmem>>
    %dma_wait3A_356 = arith.constant 0 : i32
    %dma_wait3A_357 = arith.constant 0 : i32
    %dma_wait3A_358 = tpu.memref_slice %arg4[%dma_wait3A_356, %dma_wait3A_357] : memref<100000x128xf32, #tpu.memory_space<hbm>> -> memref<100000x128xf32, #tpu.memory_space<hbm>>
    tpu.wait_indirect_dma semaphore(%arg25 : memref<!tpu.dma_semaphore, #tpu.memory_space<semaphore_mem>>) src(%dma_wait3A_358 : memref<100000x128xf32, #tpu.memory_space<hbm>>) dst(%dma_wait3A_352 : memref<128x128xf32, #tpu.memory_space<vmem>>)
    %dma_wait3A_359 = arith.constant 1 : i32
    %dma_wait3A_360 = arith.constant 128 : i32
    %dma_wait3A_361 = arith.constant 0 : i32
    %dma_wait3A_362 = tpu.memref_slice %arg12[%dma_wait3A_360, %dma_wait3A_361] : memref<256x128xf32, #tpu.memory_space<vmem>> -> memref<128x128xf32, #tpu.memory_space<vmem>>
    %dma_wait3A_363 = arith.constant 0 : i32
    %dma_wait3A_364 = tpu.memref_slice %arg10[%dma_wait3A_359, %dma_wait3A_363] : memref<2x128xi32, #tpu.memory_space<vmem>> -> memref<1x128xi32, #tpu.memory_space<vmem>>
    %dma_wait3A_365 = tpu.memref_squeeze %dma_wait3A_364 : memref<1x128xi32, #tpu.memory_space<vmem>> -> memref<128xi32, #tpu.memory_space<vmem>>
    %dma_wait3A_366 = arith.constant 0 : i32
    %dma_wait3A_367 = arith.constant 0 : i32
    %dma_wait3A_368 = tpu.memref_slice %arg4[%dma_wait3A_366, %dma_wait3A_367] : memref<100000x128xf32, #tpu.memory_space<hbm>> -> memref<100000x128xf32, #tpu.memory_space<hbm>>
    tpu.wait_indirect_dma semaphore(%arg26 : memref<!tpu.dma_semaphore, #tpu.memory_space<semaphore_mem>>) src(%dma_wait3A_368 : memref<100000x128xf32, #tpu.memory_space<hbm>>) dst(%dma_wait3A_362 : memref<128x128xf32, #tpu.memory_space<vmem>>)
    %parallel_loop3A = arith.constant 0 : i32
    %parallel_loop3A_369 = arith.constant 256 : i32
    %parallel_loop3A_370 = arith.constant 1 : i32
    scf.for %parallel_loop3A_410 = %parallel_loop3A to %parallel_loop3A_369 step %parallel_loop3A_370  : i32 {
      %parallel_loop3A_411 = arith.constant 1 : i32
      %parallel_loop3A_412 = arith.addi %parallel_loop3A_410, %parallel_loop3A_411 : i32
      %parallel_loop3A_413 = vector.broadcast %parallel_loop3A_412 : i32 to vector<16xi32>
      %parallel_loop3A_414 = tpu.vector_load_idx %arg16[%parallel_loop3A_413] : memref<264xf32, #tpu.memory_space<vmem>>[vector<16xi32>], vector<16xf32>,
      %parallel_loop3A_415 = arith.index_cast %parallel_loop3A_410 : i32 to index
      %parallel_loop3A_416 = arith.constant 0 : index
      %parallel_loop3A_417 = tpu.vector_load %arg12[%parallel_loop3A_415, %parallel_loop3A_416] {strides = array<i32>} : memref<256x128xf32, #tpu.memory_space<vmem>>, vector<16xf32>,
      %parallel_loop3A_418 = arith.index_cast %parallel_loop3A_410 : i32 to index
      %parallel_loop3A_419 = arith.constant 0 : index
      %parallel_loop3A_420 = tpu.vector_load %arg14[%parallel_loop3A_418, %parallel_loop3A_419] {strides = array<i32>} : memref<256x128xf32, #tpu.memory_space<vmem>>, vector<16xf32>,
      %parallel_loop3A_421 = arith.addf %parallel_loop3A_417, %parallel_loop3A_420 : vector<16xf32>
      %parallel_loop3A_422 = arith.mulf %parallel_loop3A_414, %sub3A_313 : vector<16xf32>
      %parallel_loop3A_423 = arith.addf %get3A_280, %parallel_loop3A_422 : vector<16xf32>
      %parallel_loop3A_424 = arith.addf %parallel_loop3A_421, %parallel_loop3A_423 : vector<16xf32>
      %parallel_loop3A_425 = arith.index_cast %parallel_loop3A_410 : i32 to index
      %parallel_loop3A_426 = arith.constant 16 : index
      %parallel_loop3A_427 = tpu.vector_load %arg12[%parallel_loop3A_425, %parallel_loop3A_426] {strides = array<i32>} : memref<256x128xf32, #tpu.memory_space<vmem>>, vector<16xf32>,
      %parallel_loop3A_428 = arith.index_cast %parallel_loop3A_410 : i32 to index
      %parallel_loop3A_429 = arith.constant 16 : index
      %parallel_loop3A_430 = tpu.vector_load %arg14[%parallel_loop3A_428, %parallel_loop3A_429] {strides = array<i32>} : memref<256x128xf32, #tpu.memory_space<vmem>>, vector<16xf32>,
      %parallel_loop3A_431 = arith.addf %parallel_loop3A_427, %parallel_loop3A_430 : vector<16xf32>
      %parallel_loop3A_432 = arith.mulf %parallel_loop3A_414, %sub3A_318 : vector<16xf32>
      %parallel_loop3A_433 = arith.addf %get3A_284, %parallel_loop3A_432 : vector<16xf32>
      %parallel_loop3A_434 = arith.addf %parallel_loop3A_431, %parallel_loop3A_433 : vector<16xf32>
      %parallel_loop3A_435 = arith.index_cast %parallel_loop3A_410 : i32 to index
      %parallel_loop3A_436 = arith.constant 32 : index
      %parallel_loop3A_437 = tpu.vector_load %arg12[%parallel_loop3A_435, %parallel_loop3A_436] {strides = array<i32>} : memref<256x128xf32, #tpu.memory_space<vmem>>, vector<16xf32>,
      %parallel_loop3A_438 = arith.index_cast %parallel_loop3A_410 : i32 to index
      %parallel_loop3A_439 = arith.constant 32 : index
      %parallel_loop3A_440 = tpu.vector_load %arg14[%parallel_loop3A_438, %parallel_loop3A_439] {strides = array<i32>} : memref<256x128xf32, #tpu.memory_space<vmem>>, vector<16xf32>,
      %parallel_loop3A_441 = arith.addf %parallel_loop3A_437, %parallel_loop3A_440 : vector<16xf32>
      %parallel_loop3A_442 = arith.mulf %parallel_loop3A_414, %sub3A_323 : vector<16xf32>
      %parallel_loop3A_443 = arith.addf %get3A_288, %parallel_loop3A_442 : vector<16xf32>
      %parallel_loop3A_444 = arith.addf %parallel_loop3A_441, %parallel_loop3A_443 : vector<16xf32>
      %parallel_loop3A_445 = arith.index_cast %parallel_loop3A_410 : i32 to index
      %parallel_loop3A_446 = arith.constant 48 : index
      %parallel_loop3A_447 = tpu.vector_load %arg12[%parallel_loop3A_445, %parallel_loop3A_446] {strides = array<i32>} : memref<256x128xf32, #tpu.memory_space<vmem>>, vector<16xf32>,
      %parallel_loop3A_448 = arith.index_cast %parallel_loop3A_410 : i32 to index
      %parallel_loop3A_449 = arith.constant 48 : index
      %parallel_loop3A_450 = tpu.vector_load %arg14[%parallel_loop3A_448, %parallel_loop3A_449] {strides = array<i32>} : memref<256x128xf32, #tpu.memory_space<vmem>>, vector<16xf32>,
      %parallel_loop3A_451 = arith.addf %parallel_loop3A_447, %parallel_loop3A_450 : vector<16xf32>
      %parallel_loop3A_452 = arith.mulf %parallel_loop3A_414, %sub3A_328 : vector<16xf32>
      %parallel_loop3A_453 = arith.addf %get3A_292, %parallel_loop3A_452 : vector<16xf32>
      %parallel_loop3A_454 = arith.addf %parallel_loop3A_451, %parallel_loop3A_453 : vector<16xf32>
      %parallel_loop3A_455 = arith.index_cast %parallel_loop3A_410 : i32 to index
      %parallel_loop3A_456 = arith.constant 64 : index
      %parallel_loop3A_457 = tpu.vector_load %arg12[%parallel_loop3A_455, %parallel_loop3A_456] {strides = array<i32>} : memref<256x128xf32, #tpu.memory_space<vmem>>, vector<16xf32>,
      %parallel_loop3A_458 = arith.index_cast %parallel_loop3A_410 : i32 to index
      %parallel_loop3A_459 = arith.constant 64 : index
      %parallel_loop3A_460 = tpu.vector_load %arg14[%parallel_loop3A_458, %parallel_loop3A_459] {strides = array<i32>} : memref<256x128xf32, #tpu.memory_space<vmem>>, vector<16xf32>,
      %parallel_loop3A_461 = arith.addf %parallel_loop3A_457, %parallel_loop3A_460 : vector<16xf32>
      %parallel_loop3A_462 = arith.mulf %parallel_loop3A_414, %sub3A_333 : vector<16xf32>
      %parallel_loop3A_463 = arith.addf %get3A_296, %parallel_loop3A_462 : vector<16xf32>
      %parallel_loop3A_464 = arith.addf %parallel_loop3A_461, %parallel_loop3A_463 : vector<16xf32>
      %parallel_loop3A_465 = arith.index_cast %parallel_loop3A_410 : i32 to index
      %parallel_loop3A_466 = arith.constant 80 : index
      %parallel_loop3A_467 = tpu.vector_load %arg12[%parallel_loop3A_465, %parallel_loop3A_466] {strides = array<i32>} : memref<256x128xf32, #tpu.memory_space<vmem>>, vector<16xf32>,
      %parallel_loop3A_468 = arith.index_cast %parallel_loop3A_410 : i32 to index
      %parallel_loop3A_469 = arith.constant 80 : index
      %parallel_loop3A_470 = tpu.vector_load %arg14[%parallel_loop3A_468, %parallel_loop3A_469] {strides = array<i32>} : memref<256x128xf32, #tpu.memory_space<vmem>>, vector<16xf32>,
      %parallel_loop3A_471 = arith.addf %parallel_loop3A_467, %parallel_loop3A_470 : vector<16xf32>
      %parallel_loop3A_472 = arith.mulf %parallel_loop3A_414, %sub3A_338 : vector<16xf32>
      %parallel_loop3A_473 = arith.addf %get3A_300, %parallel_loop3A_472 : vector<16xf32>
      %parallel_loop3A_474 = arith.addf %parallel_loop3A_471, %parallel_loop3A_473 : vector<16xf32>
      %parallel_loop3A_475 = arith.index_cast %parallel_loop3A_410 : i32 to index
      %parallel_loop3A_476 = arith.constant 96 : index
      %parallel_loop3A_477 = tpu.vector_load %arg12[%parallel_loop3A_475, %parallel_loop3A_476] {strides = array<i32>} : memref<256x128xf32, #tpu.memory_space<vmem>>, vector<16xf32>,
      %parallel_loop3A_478 = arith.index_cast %parallel_loop3A_410 : i32 to index
      %parallel_loop3A_479 = arith.constant 96 : index
      %parallel_loop3A_480 = tpu.vector_load %arg14[%parallel_loop3A_478, %parallel_loop3A_479] {strides = array<i32>} : memref<256x128xf32, #tpu.memory_space<vmem>>, vector<16xf32>,
      %parallel_loop3A_481 = arith.addf %parallel_loop3A_477, %parallel_loop3A_480 : vector<16xf32>
      %parallel_loop3A_482 = arith.mulf %parallel_loop3A_414, %sub3A_343 : vector<16xf32>
      %parallel_loop3A_483 = arith.addf %get3A_304, %parallel_loop3A_482 : vector<16xf32>
      %parallel_loop3A_484 = arith.addf %parallel_loop3A_481, %parallel_loop3A_483 : vector<16xf32>
      %parallel_loop3A_485 = arith.index_cast %parallel_loop3A_410 : i32 to index
      %parallel_loop3A_486 = arith.constant 112 : index
      %parallel_loop3A_487 = tpu.vector_load %arg12[%parallel_loop3A_485, %parallel_loop3A_486] {strides = array<i32>} : memref<256x128xf32, #tpu.memory_space<vmem>>, vector<16xf32>,
      %parallel_loop3A_488 = arith.index_cast %parallel_loop3A_410 : i32 to index
      %parallel_loop3A_489 = arith.constant 112 : index
      %parallel_loop3A_490 = tpu.vector_load %arg14[%parallel_loop3A_488, %parallel_loop3A_489] {strides = array<i32>} : memref<256x128xf32, #tpu.memory_space<vmem>>, vector<16xf32>,
      %parallel_loop3A_491 = arith.addf %parallel_loop3A_487, %parallel_loop3A_490 : vector<16xf32>
      %parallel_loop3A_492 = arith.mulf %parallel_loop3A_414, %sub3A_348 : vector<16xf32>
      %parallel_loop3A_493 = arith.addf %get3A_308, %parallel_loop3A_492 : vector<16xf32>
      %parallel_loop3A_494 = arith.addf %parallel_loop3A_491, %parallel_loop3A_493 : vector<16xf32>
      %parallel_loop3A_495 = arith.mulf %parallel_loop3A_424, %parallel_loop3A_424 : vector<16xf32>
      %parallel_loop3A_496 = arith.addf %parallel_loop3A_424, %parallel_loop3A_434 : vector<16xf32>
      %parallel_loop3A_497 = arith.mulf %parallel_loop3A_434, %parallel_loop3A_434 : vector<16xf32>
      %parallel_loop3A_498 = arith.addf %parallel_loop3A_495, %parallel_loop3A_497 : vector<16xf32>
      %parallel_loop3A_499 = arith.addf %parallel_loop3A_496, %parallel_loop3A_444 : vector<16xf32>
      %parallel_loop3A_500 = arith.mulf %parallel_loop3A_444, %parallel_loop3A_444 : vector<16xf32>
      %parallel_loop3A_501 = arith.addf %parallel_loop3A_498, %parallel_loop3A_500 : vector<16xf32>
      %parallel_loop3A_502 = arith.addf %parallel_loop3A_499, %parallel_loop3A_454 : vector<16xf32>
      %parallel_loop3A_503 = arith.mulf %parallel_loop3A_454, %parallel_loop3A_454 : vector<16xf32>
      %parallel_loop3A_504 = arith.addf %parallel_loop3A_501, %parallel_loop3A_503 : vector<16xf32>
      %parallel_loop3A_505 = arith.addf %parallel_loop3A_502, %parallel_loop3A_464 : vector<16xf32>
      %parallel_loop3A_506 = arith.mulf %parallel_loop3A_464, %parallel_loop3A_464 : vector<16xf32>
      %parallel_loop3A_507 = arith.addf %parallel_loop3A_504, %parallel_loop3A_506 : vector<16xf32>
      %parallel_loop3A_508 = arith.addf %parallel_loop3A_505, %parallel_loop3A_474 : vector<16xf32>
      %parallel_loop3A_509 = arith.mulf %parallel_loop3A_474, %parallel_loop3A_474 : vector<16xf32>
      %parallel_loop3A_510 = arith.addf %parallel_loop3A_507, %parallel_loop3A_509 : vector<16xf32>
      %parallel_loop3A_511 = arith.addf %parallel_loop3A_508, %parallel_loop3A_484 : vector<16xf32>
      %parallel_loop3A_512 = arith.mulf %parallel_loop3A_484, %parallel_loop3A_484 : vector<16xf32>
      %parallel_loop3A_513 = arith.addf %parallel_loop3A_510, %parallel_loop3A_512 : vector<16xf32>
      %parallel_loop3A_514 = arith.addf %parallel_loop3A_511, %parallel_loop3A_494 : vector<16xf32>
      %parallel_loop3A_515 = arith.mulf %parallel_loop3A_494, %parallel_loop3A_494 : vector<16xf32>
      %parallel_loop3A_516 = arith.addf %parallel_loop3A_513, %parallel_loop3A_515 : vector<16xf32>
      %parallel_loop3A_517 = arith.constant 16 : i32
      %parallel_loop3A_518 = arith.addi %parallel_loop3A_410, %parallel_loop3A_517 : i32
      %parallel_loop3A_519 = vector.broadcast %parallel_loop3A_518 : i32 to vector<16xi32>
      tpu.vector_store_idx %arg19[%parallel_loop3A_519], %parallel_loop3A_514 {add = true} : memref<272xf32, #tpu.memory_space<vmem>>[vector<16xi32>], vector<16xf32>,
      tpu.vector_store_idx %arg20[%parallel_loop3A_519], %parallel_loop3A_516 {add = true} : memref<272xf32, #tpu.memory_space<vmem>>[vector<16xi32>], vector<16xf32>,
      %parallel_loop3A_520 = arith.index_cast %parallel_loop3A_410 : i32 to index
      %parallel_loop3A_521 = arith.constant 0 : index
      %parallel_loop3A_522 = tpu.vector_load %arg13[%parallel_loop3A_520, %parallel_loop3A_521] {strides = array<i32>} : memref<256x128xf32, #tpu.memory_space<vmem>>, vector<16xf32>,
      tpu.vector_store %arg13[%parallel_loop3A_520, %parallel_loop3A_521], %parallel_loop3A_424 {strides = array<i32>} : memref<256x128xf32, #tpu.memory_space<vmem>>, vector<16xf32>,
      %parallel_loop3A_523 = arith.index_cast %parallel_loop3A_410 : i32 to index
      %parallel_loop3A_524 = arith.constant 16 : index
      %parallel_loop3A_525 = tpu.vector_load %arg13[%parallel_loop3A_523, %parallel_loop3A_524] {strides = array<i32>} : memref<256x128xf32, #tpu.memory_space<vmem>>, vector<16xf32>,
      tpu.vector_store %arg13[%parallel_loop3A_523, %parallel_loop3A_524], %parallel_loop3A_434 {strides = array<i32>} : memref<256x128xf32, #tpu.memory_space<vmem>>, vector<16xf32>,
      %parallel_loop3A_526 = arith.index_cast %parallel_loop3A_410 : i32 to index
      %parallel_loop3A_527 = arith.constant 32 : index
      %parallel_loop3A_528 = tpu.vector_load %arg13[%parallel_loop3A_526, %parallel_loop3A_527] {strides = array<i32>} : memref<256x128xf32, #tpu.memory_space<vmem>>, vector<16xf32>,
      tpu.vector_store %arg13[%parallel_loop3A_526, %parallel_loop3A_527], %parallel_loop3A_444 {strides = array<i32>} : memref<256x128xf32, #tpu.memory_space<vmem>>, vector<16xf32>,
      %parallel_loop3A_529 = arith.index_cast %parallel_loop3A_410 : i32 to index
      %parallel_loop3A_530 = arith.constant 48 : index
      %parallel_loop3A_531 = tpu.vector_load %arg13[%parallel_loop3A_529, %parallel_loop3A_530] {strides = array<i32>} : memref<256x128xf32, #tpu.memory_space<vmem>>, vector<16xf32>,
      tpu.vector_store %arg13[%parallel_loop3A_529, %parallel_loop3A_530], %parallel_loop3A_454 {strides = array<i32>} : memref<256x128xf32, #tpu.memory_space<vmem>>, vector<16xf32>,
      %parallel_loop3A_532 = arith.index_cast %parallel_loop3A_410 : i32 to index
      %parallel_loop3A_533 = arith.constant 64 : index
      %parallel_loop3A_534 = tpu.vector_load %arg13[%parallel_loop3A_532, %parallel_loop3A_533] {strides = array<i32>} : memref<256x128xf32, #tpu.memory_space<vmem>>, vector<16xf32>,
      tpu.vector_store %arg13[%parallel_loop3A_532, %parallel_loop3A_533], %parallel_loop3A_464 {strides = array<i32>} : memref<256x128xf32, #tpu.memory_space<vmem>>, vector<16xf32>,
      %parallel_loop3A_535 = arith.index_cast %parallel_loop3A_410 : i32 to index
      %parallel_loop3A_536 = arith.constant 80 : index
      %parallel_loop3A_537 = tpu.vector_load %arg13[%parallel_loop3A_535, %parallel_loop3A_536] {strides = array<i32>} : memref<256x128xf32, #tpu.memory_space<vmem>>, vector<16xf32>,
      tpu.vector_store %arg13[%parallel_loop3A_535, %parallel_loop3A_536], %parallel_loop3A_474 {strides = array<i32>} : memref<256x128xf32, #tpu.memory_space<vmem>>, vector<16xf32>,
      %parallel_loop3A_538 = arith.index_cast %parallel_loop3A_410 : i32 to index
      %parallel_loop3A_539 = arith.constant 96 : index
      %parallel_loop3A_540 = tpu.vector_load %arg13[%parallel_loop3A_538, %parallel_loop3A_539] {strides = array<i32>} : memref<256x128xf32, #tpu.memory_space<vmem>>, vector<16xf32>,
      tpu.vector_store %arg13[%parallel_loop3A_538, %parallel_loop3A_539], %parallel_loop3A_484 {strides = array<i32>} : memref<256x128xf32, #tpu.memory_space<vmem>>, vector<16xf32>,
      %parallel_loop3A_541 = arith.index_cast %parallel_loop3A_410 : i32 to index
      %parallel_loop3A_542 = arith.constant 112 : index
      %parallel_loop3A_543 = tpu.vector_load %arg13[%parallel_loop3A_541, %parallel_loop3A_542] {strides = array<i32>} : memref<256x128xf32, #tpu.memory_space<vmem>>, vector<16xf32>,
      tpu.vector_store %arg13[%parallel_loop3A_541, %parallel_loop3A_542], %parallel_loop3A_494 {strides = array<i32>} : memref<256x128xf32, #tpu.memory_space<vmem>>, vector<16xf32>,
    } {sc.loop_unroll_factor = 4 : i64, sc.parallel_access}
    %get3A_371 = arith.constant 0 : index
    %get3A_372 = tpu.vector_load %arg17[%get3A_371] {strides = array<i32>} : memref<128xf32, #tpu.memory_space<vmem>>, vector<16xf32>,
    %get3A_373 = arith.constant 16 : index
    %get3A_374 = tpu.vector_load %arg17[%get3A_373] {strides = array<i32>} : memref<128xf32, #tpu.memory_space<vmem>>, vector<16xf32>,
    %get3A_375 = arith.constant 32 : index
    %get3A_376 = tpu.vector_load %arg17[%get3A_375] {strides = array<i32>} : memref<128xf32, #tpu.memory_space<vmem>>, vector<16xf32>,
    %get3A_377 = arith.constant 48 : index
    %get3A_378 = tpu.vector_load %arg17[%get3A_377] {strides = array<i32>} : memref<128xf32, #tpu.memory_space<vmem>>, vector<16xf32>,
    %get3A_379 = arith.constant 64 : index
    %get3A_380 = tpu.vector_load %arg17[%get3A_379] {strides = array<i32>} : memref<128xf32, #tpu.memory_space<vmem>>, vector<16xf32>,
    %get3A_381 = arith.constant 80 : index
    %get3A_382 = tpu.vector_load %arg17[%get3A_381] {strides = array<i32>} : memref<128xf32, #tpu.memory_space<vmem>>, vector<16xf32>,
    %get3A_383 = arith.constant 96 : index
    %get3A_384 = tpu.vector_load %arg17[%get3A_383] {strides = array<i32>} : memref<128xf32, #tpu.memory_space<vmem>>, vector<16xf32>,
    %get3A_385 = arith.constant 112 : index
    %get3A_386 = tpu.vector_load %arg17[%get3A_385] {strides = array<i32>} : memref<128xf32, #tpu.memory_space<vmem>>, vector<16xf32>,
    %get3A_387 = arith.constant 0 : index
    %get3A_388 = tpu.vector_load %arg18[%get3A_387] {strides = array<i32>} : memref<128xf32, #tpu.memory_space<vmem>>, vector<16xf32>,
    %get3A_389 = arith.constant 16 : index
    %get3A_390 = tpu.vector_load %arg18[%get3A_389] {strides = array<i32>} : memref<128xf32, #tpu.memory_space<vmem>>, vector<16xf32>,
    %get3A_391 = arith.constant 32 : index
    %get3A_392 = tpu.vector_load %arg18[%get3A_391] {strides = array<i32>} : memref<128xf32, #tpu.memory_space<vmem>>, vector<16xf32>,
    %get3A_393 = arith.constant 48 : index
    %get3A_394 = tpu.vector_load %arg18[%get3A_393] {strides = array<i32>} : memref<128xf32, #tpu.memory_space<vmem>>, vector<16xf32>,
    %get3A_395 = arith.constant 64 : index
    %get3A_396 = tpu.vector_load %arg18[%get3A_395] {strides = array<i32>} : memref<128xf32, #tpu.memory_space<vmem>>, vector<16xf32>,
    %get3A_397 = arith.constant 80 : index
    %get3A_398 = tpu.vector_load %arg18[%get3A_397] {strides = array<i32>} : memref<128xf32, #tpu.memory_space<vmem>>, vector<16xf32>,
    %get3A_399 = arith.constant 96 : index
    %get3A_400 = tpu.vector_load %arg18[%get3A_399] {strides = array<i32>} : memref<128xf32, #tpu.memory_space<vmem>>, vector<16xf32>,
    %get3A_401 = arith.constant 112 : index
    %get3A_402 = tpu.vector_load %arg18[%get3A_401] {strides = array<i32>} : memref<128xf32, #tpu.memory_space<vmem>>, vector<16xf32>,
    %parallel_loop3A_403 = arith.constant 0 : i32
    %parallel_loop3A_404 = arith.constant 16 : i32
    %parallel_loop3A_405 = arith.constant 1 : i32
    %parallel_loop3A_406 = arith.constant 7.812500e-03 : f32
    scf.for %parallel_loop3A_410 = %parallel_loop3A_403 to %parallel_loop3A_404 step %parallel_loop3A_405  : i32 {
      %parallel_loop3A_411 = arith.constant 16 : i32
      %parallel_loop3A_412 = arith.muli %parallel_loop3A_410, %parallel_loop3A_411 : i32
      %parallel_loop3A_413 = arith.constant 16 : i32
      %parallel_loop3A_414 = arith.addi %parallel_loop3A_412, %parallel_loop3A_413 : i32
      %parallel_loop3A_415 = arith.index_cast %parallel_loop3A_414 : i32 to index
      %parallel_loop3A_416 = tpu.vector_load %arg19[%parallel_loop3A_415] {strides = array<i32>} : memref<272xf32, #tpu.memory_space<vmem>>, vector<16xf32>,
      %parallel_loop3A_417 = arith.constant 16 : i32
      %parallel_loop3A_418 = arith.addi %parallel_loop3A_412, %parallel_loop3A_417 : i32
      %parallel_loop3A_419 = arith.index_cast %parallel_loop3A_418 : i32 to index
      %parallel_loop3A_420 = tpu.vector_load %arg20[%parallel_loop3A_419] {strides = array<i32>} : memref<272xf32, #tpu.memory_space<vmem>>, vector<16xf32>,
      %parallel_loop3A_421 = vector.broadcast %parallel_loop3A_406 : f32 to vector<16xf32>
      %parallel_loop3A_422 = arith.mulf %parallel_loop3A_416, %parallel_loop3A_421 : vector<16xf32>
      %parallel_loop3A_423 = vector.broadcast %parallel_loop3A_406 : f32 to vector<16xf32>
      %parallel_loop3A_424 = arith.mulf %parallel_loop3A_420, %parallel_loop3A_423 : vector<16xf32>
      %parallel_loop3A_425 = arith.mulf %parallel_loop3A_422, %parallel_loop3A_422 : vector<16xf32>
      %parallel_loop3A_426 = arith.subf %parallel_loop3A_424, %parallel_loop3A_425 : vector<16xf32>
      %parallel_loop3A_427 = arith.constant 9.99999974E-6 : f32
      %parallel_loop3A_428 = vector.broadcast %parallel_loop3A_427 : f32 to vector<16xf32>
      %parallel_loop3A_429 = arith.addf %parallel_loop3A_426, %parallel_loop3A_428 : vector<16xf32>
      %parallel_loop3A_430 = vector.bitcast %parallel_loop3A_429 : vector<16xf32> to vector<16xi32>
      %parallel_loop3A_431 = arith.constant 1 : i32
      %parallel_loop3A_432 = vector.broadcast %parallel_loop3A_431 : i32 to vector<16xi32>
      %parallel_loop3A_433 = arith.shrsi %parallel_loop3A_430, %parallel_loop3A_432 : vector<16xi32>
      %parallel_loop3A_434 = arith.constant 1597463007 : i32
      %parallel_loop3A_435 = vector.broadcast %parallel_loop3A_434 : i32 to vector<16xi32>
      %parallel_loop3A_436 = arith.subi %parallel_loop3A_435, %parallel_loop3A_433 : vector<16xi32>
      %parallel_loop3A_437 = vector.bitcast %parallel_loop3A_436 : vector<16xi32> to vector<16xf32>
      %parallel_loop3A_438 = arith.constant 5.000000e-01 : f32
      %parallel_loop3A_439 = vector.broadcast %parallel_loop3A_438 : f32 to vector<16xf32>
      %parallel_loop3A_440 = arith.mulf %parallel_loop3A_429, %parallel_loop3A_439 : vector<16xf32>
      %parallel_loop3A_441 = arith.mulf %parallel_loop3A_440, %parallel_loop3A_437 : vector<16xf32>
      %parallel_loop3A_442 = arith.mulf %parallel_loop3A_441, %parallel_loop3A_437 : vector<16xf32>
      %parallel_loop3A_443 = arith.constant 1.500000e+00 : f32
      %parallel_loop3A_444 = vector.broadcast %parallel_loop3A_443 : f32 to vector<16xf32>
      %parallel_loop3A_445 = arith.subf %parallel_loop3A_444, %parallel_loop3A_442 : vector<16xf32>
      %parallel_loop3A_446 = arith.mulf %parallel_loop3A_437, %parallel_loop3A_445 : vector<16xf32>
      %parallel_loop3A_447 = arith.mulf %parallel_loop3A_440, %parallel_loop3A_446 : vector<16xf32>
      %parallel_loop3A_448 = arith.mulf %parallel_loop3A_447, %parallel_loop3A_446 : vector<16xf32>
      %parallel_loop3A_449 = arith.constant 1.500000e+00 : f32
      %parallel_loop3A_450 = vector.broadcast %parallel_loop3A_449 : f32 to vector<16xf32>
      %parallel_loop3A_451 = arith.subf %parallel_loop3A_450, %parallel_loop3A_448 : vector<16xf32>
      %parallel_loop3A_452 = arith.mulf %parallel_loop3A_446, %parallel_loop3A_451 : vector<16xf32>
      %parallel_loop3A_453 = arith.mulf %parallel_loop3A_440, %parallel_loop3A_452 : vector<16xf32>
      %parallel_loop3A_454 = arith.mulf %parallel_loop3A_453, %parallel_loop3A_452 : vector<16xf32>
      %parallel_loop3A_455 = arith.constant 1.500000e+00 : f32
      %parallel_loop3A_456 = vector.broadcast %parallel_loop3A_455 : f32 to vector<16xf32>
      %parallel_loop3A_457 = arith.subf %parallel_loop3A_456, %parallel_loop3A_454 : vector<16xf32>
      %parallel_loop3A_458 = arith.mulf %parallel_loop3A_452, %parallel_loop3A_457 : vector<16xf32>
      %parallel_loop3A_459 = arith.constant 16 : i32
      %parallel_loop3A_460 = arith.addi %parallel_loop3A_412, %parallel_loop3A_459 : i32
      %parallel_loop3A_461 = arith.index_cast %parallel_loop3A_460 : i32 to index
      %parallel_loop3A_462 = tpu.vector_load %arg21[%parallel_loop3A_461] {strides = array<i32>} : memref<272xf32, #tpu.memory_space<vmem>>, vector<16xf32>,
      tpu.vector_store %arg21[%parallel_loop3A_461], %parallel_loop3A_458 {strides = array<i32>} : memref<272xf32, #tpu.memory_space<vmem>>, vector<16xf32>,
      %parallel_loop3A_463 = arith.mulf %parallel_loop3A_422, %parallel_loop3A_458 : vector<16xf32>
      %parallel_loop3A_464 = arith.constant 16 : i32
      %parallel_loop3A_465 = arith.addi %parallel_loop3A_412, %parallel_loop3A_464 : i32
      %parallel_loop3A_466 = arith.index_cast %parallel_loop3A_465 : i32 to index
      %parallel_loop3A_467 = tpu.vector_load %arg22[%parallel_loop3A_466] {strides = array<i32>} : memref<272xf32, #tpu.memory_space<vmem>>, vector<16xf32>,
      tpu.vector_store %arg22[%parallel_loop3A_466], %parallel_loop3A_463 {strides = array<i32>} : memref<272xf32, #tpu.memory_space<vmem>>, vector<16xf32>,
    } {sc.loop_unroll_factor = 2 : i64, sc.parallel_access}
    %parallel_loop3A_407 = arith.constant 0 : i32
    %parallel_loop3A_408 = arith.constant 256 : i32
    %parallel_loop3A_409 = arith.constant 1 : i32
    scf.for %parallel_loop3A_410 = %parallel_loop3A_407 to %parallel_loop3A_408 step %parallel_loop3A_409  : i32 {
      %parallel_loop3A_411 = arith.constant 16 : i32
      %parallel_loop3A_412 = arith.addi %parallel_loop3A_410, %parallel_loop3A_411 : i32
      %parallel_loop3A_413 = vector.broadcast %parallel_loop3A_412 : i32 to vector<16xi32>
      %parallel_loop3A_414 = tpu.vector_load_idx %arg21[%parallel_loop3A_413] : memref<272xf32, #tpu.memory_space<vmem>>[vector<16xi32>], vector<16xf32>,
      %parallel_loop3A_415 = tpu.vector_load_idx %arg22[%parallel_loop3A_413] : memref<272xf32, #tpu.memory_space<vmem>>[vector<16xi32>], vector<16xf32>,
      %parallel_loop3A_416 = arith.index_cast %parallel_loop3A_410 : i32 to index
      %parallel_loop3A_417 = arith.constant 0 : index
      %parallel_loop3A_418 = tpu.vector_load %arg13[%parallel_loop3A_416, %parallel_loop3A_417] {strides = array<i32>} : memref<256x128xf32, #tpu.memory_space<vmem>>, vector<16xf32>,
      %parallel_loop3A_419 = arith.mulf %parallel_loop3A_418, %parallel_loop3A_414 : vector<16xf32>
      %parallel_loop3A_420 = arith.subf %parallel_loop3A_419, %parallel_loop3A_415 : vector<16xf32>
      %parallel_loop3A_421 = arith.mulf %parallel_loop3A_420, %get3A_372 : vector<16xf32>
      %parallel_loop3A_422 = arith.addf %parallel_loop3A_421, %get3A_388 : vector<16xf32>
      %parallel_loop3A_423 = arith.index_cast %parallel_loop3A_410 : i32 to index
      %parallel_loop3A_424 = arith.constant 0 : index
      %parallel_loop3A_425 = tpu.vector_load %arg12[%parallel_loop3A_423, %parallel_loop3A_424] {strides = array<i32>} : memref<256x128xf32, #tpu.memory_space<vmem>>, vector<16xf32>,
      tpu.vector_store %arg12[%parallel_loop3A_423, %parallel_loop3A_424], %parallel_loop3A_422 {strides = array<i32>} : memref<256x128xf32, #tpu.memory_space<vmem>>, vector<16xf32>,
      %parallel_loop3A_426 = arith.index_cast %parallel_loop3A_410 : i32 to index
      %parallel_loop3A_427 = arith.constant 16 : index
      %parallel_loop3A_428 = tpu.vector_load %arg13[%parallel_loop3A_426, %parallel_loop3A_427] {strides = array<i32>} : memref<256x128xf32, #tpu.memory_space<vmem>>, vector<16xf32>,
      %parallel_loop3A_429 = arith.mulf %parallel_loop3A_428, %parallel_loop3A_414 : vector<16xf32>
      %parallel_loop3A_430 = arith.subf %parallel_loop3A_429, %parallel_loop3A_415 : vector<16xf32>
      %parallel_loop3A_431 = arith.mulf %parallel_loop3A_430, %get3A_374 : vector<16xf32>
      %parallel_loop3A_432 = arith.addf %parallel_loop3A_431, %get3A_390 : vector<16xf32>
      %parallel_loop3A_433 = arith.index_cast %parallel_loop3A_410 : i32 to index
      %parallel_loop3A_434 = arith.constant 16 : index
      %parallel_loop3A_435 = tpu.vector_load %arg12[%parallel_loop3A_433, %parallel_loop3A_434] {strides = array<i32>} : memref<256x128xf32, #tpu.memory_space<vmem>>, vector<16xf32>,
      tpu.vector_store %arg12[%parallel_loop3A_433, %parallel_loop3A_434], %parallel_loop3A_432 {strides = array<i32>} : memref<256x128xf32, #tpu.memory_space<vmem>>, vector<16xf32>,
      %parallel_loop3A_436 = arith.index_cast %parallel_loop3A_410 : i32 to index
      %parallel_loop3A_437 = arith.constant 32 : index
      %parallel_loop3A_438 = tpu.vector_load %arg13[%parallel_loop3A_436, %parallel_loop3A_437] {strides = array<i32>} : memref<256x128xf32, #tpu.memory_space<vmem>>, vector<16xf32>,
      %parallel_loop3A_439 = arith.mulf %parallel_loop3A_438, %parallel_loop3A_414 : vector<16xf32>
      %parallel_loop3A_440 = arith.subf %parallel_loop3A_439, %parallel_loop3A_415 : vector<16xf32>
      %parallel_loop3A_441 = arith.mulf %parallel_loop3A_440, %get3A_376 : vector<16xf32>
      %parallel_loop3A_442 = arith.addf %parallel_loop3A_441, %get3A_392 : vector<16xf32>
      %parallel_loop3A_443 = arith.index_cast %parallel_loop3A_410 : i32 to index
      %parallel_loop3A_444 = arith.constant 32 : index
      %parallel_loop3A_445 = tpu.vector_load %arg12[%parallel_loop3A_443, %parallel_loop3A_444] {strides = array<i32>} : memref<256x128xf32, #tpu.memory_space<vmem>>, vector<16xf32>,
      tpu.vector_store %arg12[%parallel_loop3A_443, %parallel_loop3A_444], %parallel_loop3A_442 {strides = array<i32>} : memref<256x128xf32, #tpu.memory_space<vmem>>, vector<16xf32>,
      %parallel_loop3A_446 = arith.index_cast %parallel_loop3A_410 : i32 to index
      %parallel_loop3A_447 = arith.constant 48 : index
      %parallel_loop3A_448 = tpu.vector_load %arg13[%parallel_loop3A_446, %parallel_loop3A_447] {strides = array<i32>} : memref<256x128xf32, #tpu.memory_space<vmem>>, vector<16xf32>,
      %parallel_loop3A_449 = arith.mulf %parallel_loop3A_448, %parallel_loop3A_414 : vector<16xf32>
      %parallel_loop3A_450 = arith.subf %parallel_loop3A_449, %parallel_loop3A_415 : vector<16xf32>
      %parallel_loop3A_451 = arith.mulf %parallel_loop3A_450, %get3A_378 : vector<16xf32>
      %parallel_loop3A_452 = arith.addf %parallel_loop3A_451, %get3A_394 : vector<16xf32>
      %parallel_loop3A_453 = arith.index_cast %parallel_loop3A_410 : i32 to index
      %parallel_loop3A_454 = arith.constant 48 : index
      %parallel_loop3A_455 = tpu.vector_load %arg12[%parallel_loop3A_453, %parallel_loop3A_454] {strides = array<i32>} : memref<256x128xf32, #tpu.memory_space<vmem>>, vector<16xf32>,
      tpu.vector_store %arg12[%parallel_loop3A_453, %parallel_loop3A_454], %parallel_loop3A_452 {strides = array<i32>} : memref<256x128xf32, #tpu.memory_space<vmem>>, vector<16xf32>,
      %parallel_loop3A_456 = arith.index_cast %parallel_loop3A_410 : i32 to index
      %parallel_loop3A_457 = arith.constant 64 : index
      %parallel_loop3A_458 = tpu.vector_load %arg13[%parallel_loop3A_456, %parallel_loop3A_457] {strides = array<i32>} : memref<256x128xf32, #tpu.memory_space<vmem>>, vector<16xf32>,
      %parallel_loop3A_459 = arith.mulf %parallel_loop3A_458, %parallel_loop3A_414 : vector<16xf32>
      %parallel_loop3A_460 = arith.subf %parallel_loop3A_459, %parallel_loop3A_415 : vector<16xf32>
      %parallel_loop3A_461 = arith.mulf %parallel_loop3A_460, %get3A_380 : vector<16xf32>
      %parallel_loop3A_462 = arith.addf %parallel_loop3A_461, %get3A_396 : vector<16xf32>
      %parallel_loop3A_463 = arith.index_cast %parallel_loop3A_410 : i32 to index
      %parallel_loop3A_464 = arith.constant 64 : index
      %parallel_loop3A_465 = tpu.vector_load %arg12[%parallel_loop3A_463, %parallel_loop3A_464] {strides = array<i32>} : memref<256x128xf32, #tpu.memory_space<vmem>>, vector<16xf32>,
      tpu.vector_store %arg12[%parallel_loop3A_463, %parallel_loop3A_464], %parallel_loop3A_462 {strides = array<i32>} : memref<256x128xf32, #tpu.memory_space<vmem>>, vector<16xf32>,
      %parallel_loop3A_466 = arith.index_cast %parallel_loop3A_410 : i32 to index
      %parallel_loop3A_467 = arith.constant 80 : index
      %parallel_loop3A_468 = tpu.vector_load %arg13[%parallel_loop3A_466, %parallel_loop3A_467] {strides = array<i32>} : memref<256x128xf32, #tpu.memory_space<vmem>>, vector<16xf32>,
      %parallel_loop3A_469 = arith.mulf %parallel_loop3A_468, %parallel_loop3A_414 : vector<16xf32>
      %parallel_loop3A_470 = arith.subf %parallel_loop3A_469, %parallel_loop3A_415 : vector<16xf32>
      %parallel_loop3A_471 = arith.mulf %parallel_loop3A_470, %get3A_382 : vector<16xf32>
      %parallel_loop3A_472 = arith.addf %parallel_loop3A_471, %get3A_398 : vector<16xf32>
      %parallel_loop3A_473 = arith.index_cast %parallel_loop3A_410 : i32 to index
      %parallel_loop3A_474 = arith.constant 80 : index
      %parallel_loop3A_475 = tpu.vector_load %arg12[%parallel_loop3A_473, %parallel_loop3A_474] {strides = array<i32>} : memref<256x128xf32, #tpu.memory_space<vmem>>, vector<16xf32>,
      tpu.vector_store %arg12[%parallel_loop3A_473, %parallel_loop3A_474], %parallel_loop3A_472 {strides = array<i32>} : memref<256x128xf32, #tpu.memory_space<vmem>>, vector<16xf32>,
      %parallel_loop3A_476 = arith.index_cast %parallel_loop3A_410 : i32 to index
      %parallel_loop3A_477 = arith.constant 96 : index
      %parallel_loop3A_478 = tpu.vector_load %arg13[%parallel_loop3A_476, %parallel_loop3A_477] {strides = array<i32>} : memref<256x128xf32, #tpu.memory_space<vmem>>, vector<16xf32>,
      %parallel_loop3A_479 = arith.mulf %parallel_loop3A_478, %parallel_loop3A_414 : vector<16xf32>
      %parallel_loop3A_480 = arith.subf %parallel_loop3A_479, %parallel_loop3A_415 : vector<16xf32>
      %parallel_loop3A_481 = arith.mulf %parallel_loop3A_480, %get3A_384 : vector<16xf32>
      %parallel_loop3A_482 = arith.addf %parallel_loop3A_481, %get3A_400 : vector<16xf32>
      %parallel_loop3A_483 = arith.index_cast %parallel_loop3A_410 : i32 to index
      %parallel_loop3A_484 = arith.constant 96 : index
      %parallel_loop3A_485 = tpu.vector_load %arg12[%parallel_loop3A_483, %parallel_loop3A_484] {strides = array<i32>} : memref<256x128xf32, #tpu.memory_space<vmem>>, vector<16xf32>,
      tpu.vector_store %arg12[%parallel_loop3A_483, %parallel_loop3A_484], %parallel_loop3A_482 {strides = array<i32>} : memref<256x128xf32, #tpu.memory_space<vmem>>, vector<16xf32>,
      %parallel_loop3A_486 = arith.index_cast %parallel_loop3A_410 : i32 to index
      %parallel_loop3A_487 = arith.constant 112 : index
      %parallel_loop3A_488 = tpu.vector_load %arg13[%parallel_loop3A_486, %parallel_loop3A_487] {strides = array<i32>} : memref<256x128xf32, #tpu.memory_space<vmem>>, vector<16xf32>,
      %parallel_loop3A_489 = arith.mulf %parallel_loop3A_488, %parallel_loop3A_414 : vector<16xf32>
      %parallel_loop3A_490 = arith.subf %parallel_loop3A_489, %parallel_loop3A_415 : vector<16xf32>
      %parallel_loop3A_491 = arith.mulf %parallel_loop3A_490, %get3A_386 : vector<16xf32>
      %parallel_loop3A_492 = arith.addf %parallel_loop3A_491, %get3A_402 : vector<16xf32>
      %parallel_loop3A_493 = arith.index_cast %parallel_loop3A_410 : i32 to index
      %parallel_loop3A_494 = arith.constant 112 : index
      %parallel_loop3A_495 = tpu.vector_load %arg12[%parallel_loop3A_493, %parallel_loop3A_494] {strides = array<i32>} : memref<256x128xf32, #tpu.memory_space<vmem>>, vector<16xf32>,
      tpu.vector_store %arg12[%parallel_loop3A_493, %parallel_loop3A_494], %parallel_loop3A_492 {strides = array<i32>} : memref<256x128xf32, #tpu.memory_space<vmem>>, vector<16xf32>,
    } {sc.loop_unroll_factor = 4 : i64, sc.parallel_access}
    "tpu.region"() ({
      %run_scoped3A = tpu.sem_alloc : memref<!tpu.dma_semaphore, #tpu.memory_space<semaphore_mem>>
      %dma_start3A_410 = arith.constant 0 : i32
      %dma_start3A_411 = tpu.memref_slice %arg9[%mul3A_2, %dma_start3A_410] : memref<8192x128xf32, #tpu.memory_space<hbm>> -> memref<256x128xf32, #tpu.memory_space<hbm>>
      %dma_start3A_412 = arith.constant 0 : i32
      %dma_start3A_413 = tpu.memref_slice %arg9[%mul3A_2, %dma_start3A_412] : memref<8192x128xf32, #tpu.memory_space<hbm>> -> memref<256x128xf32, #tpu.memory_space<hbm>>
      tpu.enqueue_dma source(%arg12 : memref<256x128xf32, #tpu.memory_space<vmem>>) target(%dma_start3A_413 : memref<256x128xf32, #tpu.memory_space<hbm>>) target_semaphore(%run_scoped3A : memref<!tpu.dma_semaphore, #tpu.memory_space<semaphore_mem>>)
      %dma_wait3A_414 = arith.constant 0 : i32
      %dma_wait3A_415 = tpu.memref_slice %arg9[%mul3A_2, %dma_wait3A_414] : memref<8192x128xf32, #tpu.memory_space<hbm>> -> memref<256x128xf32, #tpu.memory_space<hbm>>
      %dma_wait3A_416 = arith.constant 0 : i32
      %dma_wait3A_417 = tpu.memref_slice %arg9[%mul3A_2, %dma_wait3A_416] : memref<8192x128xf32, #tpu.memory_space<hbm>> -> memref<256x128xf32, #tpu.memory_space<hbm>>
      tpu.wait_dma2 semaphore(%run_scoped3A : memref<!tpu.dma_semaphore, #tpu.memory_space<semaphore_mem>>) src(%arg12 : memref<256x128xf32, #tpu.memory_space<vmem>>) dst(%dma_wait3A_417 : memref<256x128xf32, #tpu.memory_space<hbm>>)
      tpu.yield
    }) : () -> ()
    return
  }
}

</mosaic_0001>

<sc_bundles>
// kernel: kernel.3.cloned.1.call-start
scs
__scs_entry_jumppad:
0x0: {  	(pc) =	sbr.rel $0x88, $3  }
0x1: {  	(tag) =	ssettag $0x0;
	lr =	simm.s32 $0x1  }
0x2: {  	[smem:$0x3F9A] =	sst lr;
	_ =	strace $0xD0000000  }
0x3: {  	_ = 	snop  }
0x4: {  	_ = 	snop  }
0x5: {  	_ = 	snop  }
0x6: {  	_ = 	snop  }
0x7: {  	_ = 	snop  }
__scs_overlays_trampoline_lowered:
0x8: {  	[smem:$0x3FA9] =	sst s0  }
0x9: {  	[smem:$0x3FAA] =	sst s1  }
0xa: {  	[smem:$0x3FAB] =	sst s2  }
0xb: {  	[smem:$0x3FAC] =	sst s3  }
0xc: {  	[smem:$0x3FAD] =	sst s4  }
0xd: {  	[smem:$0x3FAE] =	sst s5  }
0xe: {  	[smem:$0x3FAF] =	sst s6  }
0xf: {  	[smem:$0x3FB0] =	sst s7  }
0x10: {  	[smem:$0x3FB1] =	sst s8  }
0x11: {  	[smem:$0x3FB2] =	sst s9;
	s0 =	simm.s32 @!p0 $0x0  }
0x12: {  	s1 =	sld [smem:$0x3F98];
	s0 =	simm.s32 @p0 $0x1  }
0x13: {  	[smem:$0x3FB3] =	sst s0;
	s0 =	simm.s32 @!p1 $0x0  }
0x14: {  	s2 =	sld [smem:$0x3F97];
	s0 =	simm.s32 @p1 $0x1  }
0x15: {  	[smem:$0x3FB4] =	sst s0;
	s0 =	simm.s32 @!p2 $0x0  }
0x16: {  	s3 =	sld [smem:$0x3FDB];
	s0 =	simm.s32 @p2 $0x1  }
0x17: {  	s4 =	simm.s32 $0x1BF5;
	[smem:$0x3FB6] =	sst s0  }
0x18: {  	s0 =	sld [smem:$0x3F99];
	_ =	swait.ge [sflag:s4], $0x0  }
0x19: {  	s7 =	sld [smem:$0x3F9A]  }
0x1a: {  	s8 =	sadd.s32 $0xFFFFE003, lr  }
0x1b: {  	s9 =	sadd.s32 $0xFFFFFEF7, lr;
	s5 =	simm.s32 $0xFFFFFFFF;
	p2 =	slt.u32 s8, $0xFFFFF086  }
0x1c: {  	p1 =	slt.u32 s9, $0xF7A;
	s5 =	simm.s32 @!p2 $0x0  }
0x1d: {  	s5 =	simm.s32 @p1 $0x1;
	p0 =	seq.s32 s7, s2  }
0x1e: {  	s7 =	smul.u32 @!p0 $0xF7A, s2;
	p2 =	seq.s32 @!p0 s5, $0x0  }
0x1f: {  	s9 =	smul.u32 $0xF7A, s1;
	s8 =	simm.s32 @!p0 $0x1BF5;
	p2 =	por !p2, p0  }
0x20: {  	[sflag:s8] =	ssyncset.s32 @!p0 $0xFFFFF086;
	s6 =	sadd.s32 @!p0 s3, s7;
	s7 =	simm.s32 @!p0 $0x108  }
0x21: {  	s3 =	sadd.s32 s3, s9;
	s6 =	sadd.s32 @!p0 $0x88, s6;
	s7 =	simm.s32 @p2 $0x1082  }
0x22: {  	[simem:s7], [sflag:s8] =	dma.local @!p0 [hbm:s6], $0xF7A  }
0x23: {  	s9 =	sor.u32 $0xD0000000, s2;
	s6 =	simm.s32 $0x108;
	_ =	swait.ge @!p0 [sflag:s8], $0x0  }
0x24: {  	s3 =	sadd.s32 $0x88, s3;
	s6 =	simm.s32 @!p1 $0x1082;
	[sflag:s4] =	ssyncset.s32 $0xFFFFF086  }
0x25: {  	[simem:s6], [sflag:s4] =	dma.local [hbm:s3], $0xF7A  }
0x26: {  	[smem:$0x3F9A] =	sst s1;
	(tag) =	ssettag s2;
	_ =	strace s9  }
0x27: {  	s1 =	sld [smem:$0x3FAA]  }
0x28: {  	s2 =	sld [smem:$0x3FAB]  }
0x29: {  	s4 =	sld [smem:$0x3FAD]  }
0x2a: {  	p0 =	seq.s32 s5, $0x0;
	s5 =	sld [smem:$0x3FAE]  }
0x2b: {  	s6 =	sld [smem:$0x3FAF]  }
0x2c: {  	s7 =	sld [smem:$0x3FB0]  }
0x2d: {  	s3 =	simm.s32 $0x108;
	s8 =	sld [smem:$0x3FB1]  }
0x2e: {  	s3 =	simm.s32 @!p0 $0x1082;
	s9 =	sld [smem:$0x3FB2]  }
0x2f: {  	lr =	sadd.s32 s0, s3;
	s0 =	sld [smem:$0x3FA9]  }
0x30: {  	s3 =	sld [smem:$0x3FAC]  }
0x31: {  	[smem:$0x3FB5] =	sst s10  }
0x32: {  	s10 =	sld [smem:$0x3FB3];
	_ =	sdelay $0x3  }
0x33: {  	p0 =	seq.s32 s10, $0x1;
	s10 =	sld [smem:$0x3FB5];
	_ =	sdelay $0x3  }
0x34: {  	[smem:$0x3FB5] =	sst s10  }
0x35: {  	s10 =	sld [smem:$0x3FB4];
	_ =	sdelay $0x3  }
0x36: {  	p1 =	seq.s32 s10, $0x1;
	s10 =	sld [smem:$0x3FB5];
	_ =	sdelay $0x3  }
0x37: {  	[smem:$0x3FB5] =	sst s10  }
0x38: {  	s10 =	sld [smem:$0x3FB6]  }
0x39: {  	_ = 	snop;
	(pc) =	sbr.ind lr, $3  }
0x3a: {  	_ = 	snop  }
0x3b: {  	_ = 	snop  }
0x3c: {  	p2 =	seq.s32 s10, $0x1;
	s10 =	sld [smem:$0x3FB5]  }
0x3d: {  	_ =	shalt  }
0x3e: {  	_ =	shalt  }
0x3f: {  	_ =	shalt  }
0x40: {  	_ =	shalt  }
0x41: {  	_ =	shalt  }
0x42: {  	_ =	shalt  }
0x43: {  	_ =	shalt  }
0x44: {  	_ =	shalt  }
0x45: {  	_ =	shalt  }
0x46: {  	_ =	shalt  }
0x47: {  	_ =	shalt  }
0x48: {  	_ =	shalt  }
0x49: {  	_ =	shalt  }
0x4a: {  	_ =	shalt  }
0x4b: {  	_ =	shalt  }
0x4c: {  	_ =	shalt  }
0x4d: {  	_ =	shalt  }
0x4e: {  	_ =	shalt  }
0x4f: {  	_ =	shalt  }
0x50: {  	_ =	shalt  }
0x51: {  	_ =	shalt  }
0x52: {  	_ =	shalt  }
0x53: {  	_ =	shalt  }
0x54: {  	_ =	shalt  }
0x55: {  	_ =	shalt  }
0x56: {  	_ =	shalt  }
0x57: {  	_ =	shalt  }
0x58: {  	_ =	shalt  }
0x59: {  	_ =	shalt  }
0x5a: {  	_ =	shalt  }
0x5b: {  	_ =	shalt  }
0x5c: {  	_ =	shalt  }
0x5d: {  	_ =	shalt  }
0x5e: {  	_ =	shalt  }
0x5f: {  	_ =	shalt  }
0x60: {  	_ =	shalt  }
0x61: {  	_ =	shalt  }
0x62: {  	_ =	shalt  }
0x63: {  	_ =	shalt  }
0x64: {  	_ =	shalt  }
0x65: {  	_ =	shalt  }
0x66: {  	_ =	shalt  }
0x67: {  	_ =	shalt  }
0x68: {  	_ =	shalt  }
0x69: {  	_ =	shalt  }
0x6a: {  	_ =	shalt  }
0x6b: {  	_ =	shalt  }
0x6c: {  	_ =	shalt  }
0x6d: {  	_ =	shalt  }
0x6e: {  	_ =	shalt  }
0x6f: {  	_ =	shalt  }
0x70: {  	_ =	shalt  }
0x71: {  	_ =	shalt  }
0x72: {  	_ =	shalt  }
0x73: {  	_ =	shalt  }
0x74: {  	_ =	shalt  }
0x75: {  	_ =	shalt  }
0x76: {  	_ =	shalt  }
0x77: {  	_ =	shalt  }
0x78: {  	_ =	shalt  }
0x79: {  	_ =	shalt  }
0x7a: {  	_ =	shalt  }
0x7b: {  	_ =	shalt  }
0x7c: {  	_ =	shalt  }
0x7d: {  	_ =	shalt  }
0x7e: {  	_ =	shalt  }
0x7f: {  	_ =	shalt  }
0x80: {  	_ =	shalt  }
0x81: {  	_ =	shalt  }
0x82: {  	_ =	shalt  }
0x83: {  	_ =	shalt  }
0x84: {  	_ =	shalt  }
0x85: {  	_ =	shalt  }
0x86: {  	_ =	shalt  }
0x87: {  	_ =	shalt  }
.Lfunc_end0:
.L_simem_size_0:
called_computation_lowered:
.L_overlay_start_0:
0x88: {  	s2 =	sld [smem:$0x3FD9]  }
0x89: {  	s3 =	sld [smem:$0x3FFE];
	_ =	sdelay $0x1  }
0x8a: {  	s1 =	srdreg.scid  }
0x8b: {  	s0 =	sand.u32 $0x1, s1  }
0x8c: {  	s18 =	sshll.u32 s0, $0xA;
	s2 =	sadd.s32 s3, s2  }
0x8d: {  	s2 =	sadd.s32 s2, s18  }
0x8e: {  	[smem:$0x3FC1] =	sst s2  }
0x8f: {  	_ = 	snop  }
0x90: {  	s2 =	sld [smem:$0x3FC9]  }
0x91: {  	s19 =	sld [smem:$0x3FC8]  }
0x92: {  	s4 =	sld [smem:$0x3FC7]  }
0x93: {  	s5 =	sld [smem:$0x3FC6]  }
0x94: {  	s6 =	sld [smem:$0x3FC5]  }
0x95: {  	s7 =	sld [smem:$0x3FC4]  }
0x96: {  	s8 =	sld [smem:$0x3FC3]  }
0x97: {  	s9 =	sld [smem:$0x3FD0];
	(tm) =	ssettm $0x1  }
0x98: {  	s10 =	sld [smem:$0x3FFB];
	_ =	sdelay $0x3  }
0x99: {  	_ =	strace s10  }
0x9a: {  	s10 =	sld [smem:$0x3FFC];
	_ =	sdelay $0x3  }
0x9b: {  	_ =	strace s10  }
0x9c: {  	s10 =	sld [smem:$0x3FFD];
	_ =	sdelay $0x3  }
0x9d: {  	_ =	strace s10  }
0x9e: {  	_ =	strace $0x8FFFFFFF  }
0x9f: {  	s20 =	sld [smem:$0x3FDB];
	_ =	sdelay $0x1  }
0xa0: {  	s11 =	simm.s32 $_scs_section_size  }
0xa1: {  	s12 =	simm.s32 $_size__tile_overlayer_lowered;
	s13 =	simm.s32 $_tile_overlayer_lowered  }
0xa2: {  	s23 =	simm.s32 $0x1BFF;
	s22 =	sshll.u32 s13, $0x1;
	s10 =	sadd.s32 s11, s20  }
0xa3: {  	s14 =	simm.s32 $0x0;
	s21 =	sshll.u32 s12, $0x1;
	s12 =	sadd.s32 s22, s10  }
0xa4: {  	[timem:s14], [sflag:s23] =	dma.local [hbm:s12], s21  }
0xa5: {  	_ =	swait.ge [sflag:s23], s21  }
0xa6: {  	s11 =	ssub.s32 $0x0, s21;
	[sflag:s23] =	ssyncset.done $0x0  }
0xa7: {  	[sflag:s23] =	ssyncadd.s32 s11;
	_ =	sdelay $0x1  }
0xa8: {  	s24 =	simm.s32 $0x1B8B  }
0xa9: {  	_ =	swait.ge [sflag:s24], $0x1  }
0xaa: {  	[sflag:s24] =	ssyncset.done $0x0  }
0xab: {  	s25 =	simm.s32 $0x1B8E;
	[sflag:s24] =	ssyncadd.s32 $0xFFFFFFFF  }
0xac: {  	s26 =	simm.s32 $execute0_lowered;
	[smem:$0x3FD2] =	sst s25  }
0xad: {  	s11 =	sshll.u32 s26, $0x1;
	_ =	strace $0x80000046;
	[dreg:$0x1] =	wrdreg $0xFFFFFFFF  }
0xae: {  	s28 =	simm.s32 $_size_execute0_lowered;
	s10 =	sadd.s32 s10, s11;
	[dreg:$0x0] =	wrdreg $0x0  }
0xaf: {  	s11 =	sshll.u32 s28, $0x1;
	[dreg:$0x2] =	wrdreg s10  }
0xb0: {  	[dreg:$0x3] =	wrdreg s11  }
0xb1: {  	[dreg:$0x4] =	wrdreg $0xC0  }
0xb2: {  	_ =	task [dreg:s14], $0x5FFFF  }
0xb3: {  	[dreg:$0x1] =	wrdreg $0xFFFFFFFF  }
0xb4: {  	[dreg:$0x0] =	wrdreg $0x60  }
0xb5: {  	[dreg:$0x2] =	wrdreg s2  }
0xb6: {  	[dreg:$0x3] =	wrdreg s19  }
0xb7: {  	[dreg:$0x4] =	wrdreg s4  }
0xb8: {  	[dreg:$0x5] =	wrdreg s5  }
0xb9: {  	[dreg:$0x6] =	wrdreg s6  }
0xba: {  	[dreg:$0x7] =	wrdreg s7  }
0xbb: {  	[dreg:$0x8] =	wrdreg s8  }
0xbc: {  	[dreg:$0x9] =	wrdreg s9  }
0xbd: {  	[dreg:$0xa] =	wrdreg $0x9  }
0xbe: {  	_ =	task.clear_ibuf [dreg:s14], $0xBFFFF;
	_ =	strace $0x90000046  }
0xbf: {  	s29 =	simm.s32 $0x9;
	_ =	strace $0x80000048  }
0xc0: {  	_ =	swait.ge [sflag:s29], $0x1  }
0xc1: {  	[sflag:s29] =	ssyncadd.s32 $0xFFFFFFFF  }
0xc2: {  	_ =	strace $0x90000048  }
0xc3: {  	_ =	sfence  }
0xc4: {  	s30 =	sld [smem:$0x0];
	_ =	sdelay $0x2  }
0xc5: {  	s31 =	sshll.u32 s1, $0xD;
	s1 =	sshrl.u32 s1, $0x2  }
0xc6: {  	s3 =	sand.u32 $0x4000, s31;
	s1 =	sadd.s32 s1, s30  }
0xc7: {  	s0 =	sor.u32 s3, s0;
	s1 =	sshll.u32 s1, $0x11  }
0xc8: {  	s0 =	sor.u32 s1, s0  }
0xc9: {  	s0 =	sadd.s32 $0x8F2B, s0  }
0xca: {  	[sflag:s0] =	ssyncadd.remote.s32 $0x1  }
0xcb: {  	_ =	sfence.sel $0xFFFF  }
0xcc: {  	[dreg:$0x0] =	wrdreg $0xFFFFFFFF;
	(pc) =	sbr.abs _section_cstart, $3  }
0xcd: {  	[dreg:$0x1] =	wrdreg $0xFFFFFFFF  }
0xce: {  	_ =	task.clear_ibuf [dreg:s14], $0x2FFFF;
	_ =	strace $0x9FFFFFFF  }
0xcf: {  	(tm) =	ssettm $0x7FFFFFFF  }
tec
execute0_lowered:
.L_overlay_start_1:
0x0: {  	(tag) =	ssettag $0x1  }
0x1: {  	s0 =	rddreg [dreg:$0x0]  }
0x2: {  	s2 =	rddreg [dreg:$0x1]  }
0x3: {  	s3 =	srdreg.scid;
	s1 =	stileid.u32  }
0x4: {  	s4 =	rddreg [dreg:$0x3];
	s3 =	sand.u32 $0x1, s3;
	s5 =	sshll.u32 s1, $0x1  }
0x5: {  	s11 =	rddreg [dreg:$0x7];
	s13 =	simm.s32 $0x80;
	s5 =	sor.u32 s3, s5  }
0x6: {  	s14 =	simm.s32 $0x200;
	s20 =	simm.s32 $0x18580;
	s6 =	sshll.u32 s5, $0x8  }
0x7: {  	v0 =	vlaneseq.u32;
	s21 =	simm.s32 $0x18700;
	s9 =	sand.u32 $0x700, s6;
	s6 =	simm.s32 $0x0  }
0x8: {  	s28 =	simm.s32 $0x18300;
	s29 =	simm.s32 $0x18880;
	v1 =	vor.u32 $0x10, v0;
	[smem:$0x7FF] =	sst s6  }
0x9: {  	s30 =	simm.s32 $0x18A00;
	s22 =	sshll.u32 s1, $0x5;
	v2 =	vor.u32 $0x20, v0;
	_ =	strace $0x80000047;
	[tilespmem:$0x1FF80] =	vst v1  }
0xa: {  	s31 =	simm.s32 $0x5;
	s8 =	sand.u32 $0x180, s22;
	s3 =	ssub.s32 $0x2, s3;
	[tilespmem:$0x1FF90] =	vst v2;
	v2 =	vor.u32 $0x30, v0  }
0xb: {  	s22 =	simm.s32 $0x1;
	s23 =	sshrl.u32 s3, $0x1;
	s26 =	sshll.u32 s5, $0xC;
	[tilespmem:$0x1FFA0] =	vst v2;
	v2 =	vor.u32 $0x40, v0  }
0xc: {  	s24 =	ssub.s32 s3, s23;
	s11 =	sadd.s32 s11, s26;
	s7 =	sshll.u32 s9, $0x2;
	[tilespmem:$0x1FFB0] =	vst v2;
	v2 =	vor.u32 $0x50, v0  }
0xd: {  	v9 =	vor.u32 $0x90, v0;
	v10 =	vor.u32 $0xA0, v0;
	s26 =	simm.s32 $0x4;
	s25 =	sshll.u32 s9, $0x4;
	s7 =	sor.u32 s8, s7;
	[tilespmem:$0x1FFC0] =	vst v2;
	v2 =	vor.u32 $0x60, v0  }
0xe: {  	v11 =	vor.u32 $0xB0, v0;
	v12 =	vor.u32 $0xC0, v0;
	s12 =	smax.u32 s24, $0x1;
	s24 =	simm.s32 $0x2;
	s10 =	sshrl.u32 s7, $0x3;
	[tilespmem:$0x1FFD0] =	vst v2;
	v2 =	vor.u32 $0x70, v0  }
0xf: {  	v13 =	vor.u32 $0xD0, v0;
	v14 =	vor.u32 $0xE0, v0;
	s7 =	sadd.s32 s0, s10;
	s9 =	sadd.s32 s2, s10;
	s10 =	sadd.s32 s4, s25;
	[tilespmem:$0x1FFE0] =	vst v2;
	v2 =	vor.u32 $0x80, v0  }
0x10: {  	v15 =	vor.u32 $0xF0, v0;
	v16 =	vor.u32 $0x100, v0;
	v1 =	vimm.f32 $0.0e+00;
	s25 =	simm.s32 $0x3;
	s4 =	simm.s32 $0x0;
	s8 =	sadd.s32 $0x40, s7;
	[tilespmem:$0x1FFF0] =	vst v2  }
.LBB2_1:
0x11: {  	[tilespmem:s6], [sflag:$0x1] =	stream.linear.gather [hbm4b:s7+s6], $0x80, $0x38;
	[tilespmem:$0x18B80] =	vst v63  }
0x12: {  	_ = 	snop  }
0x13: {  	[tilespmem:s13], [sflag:$0x1] =	stream.linear.gather [hbm4b:s8+s6], $0x80, $0x38;
	[tilespmem:$0x18B80] =	vst v63  }
0x14: {  	s0 =	simm.s32 $0x100  }
0x15: {  	[tilespmem:s0], [sflag:$0x1] =	stream.strided.gather [hbm4b:s9+s13], $0x100, s14, s13, $0x38;
	[tilespmem:$0x18B80] =	vst v63  }
0x16: {  	s3 =	simm.s32 $0x10200;
	v0 =	vld [tilespmem:$0x1FF80]  }
0x17: {  	[tilespmem:s3], [sflag:$0x2] =	stream.linear.gather [hbm4b:s10+s6], $0x8000, $0x38;
	[tilespmem:$0x18B80] =	vst v63  }
0x18: {  	s5 =	rddreg [dreg:$0x5];
	s1 =	simm.s32 $0x18480  }
0x19: {  	[tilespmem:s1], [sflag:$0x2] =	stream.linear.gather [hbm4b:s5+s6], $0x80, $0x38;
	[tilespmem:$0x18B80] =	vst v63  }
0x1a: {  	s15 =	rddreg [dreg:$0x6];
	s16 =	simm.s32 $0x18500  }
0x1b: {  	[tilespmem:s16], [sflag:$0x2] =	stream.linear.gather [hbm4b:s15+s6], $0x80, $0x38;
	[tilespmem:$0x18B80] =	vst v63  }
0x1c: {  	s17 =	rddreg [dreg:$0x4];
	s18 =	simm.s32 $0x18200  }
0x1d: {  	[tilespmem:s18], [sflag:$0x2] =	stream.linear.gather [hbm4b:s17+s6], $0x100, $0x38;
	[tilespmem:$0x18B80] =	vst v63  }
0x1e: {  	[tilespmem:v0+s20+$0x0] =	vst.idx.msk $0xffff, v1  }
0x1f: {  	[tilespmem:v0+s21+$0x0] =	vst.idx.msk $0xffff, v1;
	v0 =	vld [tilespmem:$0x1FF90];
	_ =	sdelay $0x7  }
0x20: {  	[tilespmem:v0+s20+$0x0] =	vst.idx.msk $0xffff, v1  }
0x21: {  	[tilespmem:v0+s21+$0x0] =	vst.idx.msk $0xffff, v1;
	v0 =	vld [tilespmem:$0x1FFA0];
	_ =	sdelay $0x7  }
0x22: {  	[tilespmem:v0+s20+$0x0] =	vst.idx.msk $0xffff, v1  }
0x23: {  	[tilespmem:v0+s21+$0x0] =	vst.idx.msk $0xffff, v1;
	v0 =	vld [tilespmem:$0x1FFB0];
	_ =	sdelay $0x7  }
0x24: {  	[tilespmem:v0+s20+$0x0] =	vst.idx.msk $0xffff, v1  }
0x25: {  	[tilespmem:v0+s21+$0x0] =	vst.idx.msk $0xffff, v1;
	v0 =	vld [tilespmem:$0x1FFC0];
	_ =	sdelay $0x7  }
0x26: {  	[tilespmem:v0+s20+$0x0] =	vst.idx.msk $0xffff, v1  }
0x27: {  	[tilespmem:v0+s21+$0x0] =	vst.idx.msk $0xffff, v1;
	v0 =	vld [tilespmem:$0x1FFD0];
	_ =	sdelay $0x7  }
0x28: {  	[tilespmem:v0+s20+$0x0] =	vst.idx.msk $0xffff, v1  }
0x29: {  	[tilespmem:v0+s21+$0x0] =	vst.idx.msk $0xffff, v1;
	v0 =	vld [tilespmem:$0x1FFE0];
	_ =	sdelay $0x7  }
0x2a: {  	[tilespmem:v0+s20+$0x0] =	vst.idx.msk $0xffff, v1  }
0x2b: {  	[tilespmem:v0+s21+$0x0] =	vst.idx.msk $0xffff, v1;
	v0 =	vld [tilespmem:$0x1FFF0];
	_ =	sdelay $0x7  }
0x2c: {  	[tilespmem:v0+s20+$0x0] =	vst.idx.msk $0xffff, v1  }
0x2d: {  	[tilespmem:v0+s21+$0x0] =	vst.idx.msk $0xffff, v1  }
0x2e: {  	[tilespmem:v9+s20+$0x0] =	vst.idx.msk $0xffff, v1  }
0x2f: {  	[tilespmem:v9+s21+$0x0] =	vst.idx.msk $0xffff, v1  }
0x30: {  	[tilespmem:v10+s20+$0x0] =	vst.idx.msk $0xffff, v1  }
0x31: {  	[tilespmem:v10+s21+$0x0] =	vst.idx.msk $0xffff, v1  }
0x32: {  	[tilespmem:v11+s20+$0x0] =	vst.idx.msk $0xffff, v1  }
0x33: {  	[tilespmem:v11+s21+$0x0] =	vst.idx.msk $0xffff, v1  }
0x34: {  	[tilespmem:v12+s20+$0x0] =	vst.idx.msk $0xffff, v1  }
0x35: {  	[tilespmem:v12+s21+$0x0] =	vst.idx.msk $0xffff, v1  }
0x36: {  	[tilespmem:v13+s20+$0x0] =	vst.idx.msk $0xffff, v1  }
0x37: {  	[tilespmem:v13+s21+$0x0] =	vst.idx.msk $0xffff, v1  }
0x38: {  	[tilespmem:v14+s20+$0x0] =	vst.idx.msk $0xffff, v1  }
0x39: {  	[tilespmem:v14+s21+$0x0] =	vst.idx.msk $0xffff, v1  }
0x3a: {  	[tilespmem:v15+s20+$0x0] =	vst.idx.msk $0xffff, v1  }
0x3b: {  	[tilespmem:v15+s21+$0x0] =	vst.idx.msk $0xffff, v1  }
0x3c: {  	[tilespmem:v16+s20+$0x0] =	vst.idx.msk $0xffff, v1  }
0x3d: {  	[tilespmem:v16+s21+$0x0] =	vst.idx.msk $0xffff, v1  }
0x3e: {  	_ =	swait.ge [sflag:s22], $0x80  }
0x3f: {  	[sflag:s22] =	ssyncset.done $0x0  }
0x40: {  	[sflag:s22] =	ssyncadd.s32 $0xFFFFFF80  }
0x41: {  	_ =	swait.ge [sflag:s22], $0x80  }
0x42: {  	[sflag:s22] =	ssyncset.done $0x0  }
0x43: {  	[sflag:s22] =	ssyncadd.s32 $0xFFFFFF80  }
0x44: {  	_ =	swait.ge [sflag:s22], $0x100  }
0x45: {  	[sflag:s22] =	ssyncset.done $0x0  }
0x46: {  	[sflag:s22] =	ssyncadd.s32 $0xFFFFFF00  }
0x47: {  	s19 =	rddreg [dreg:$0x2]  }
0x48: {  	[tilespmem:s14], [sflag:$0x3] =	stream.indirect.gather [hbm4b:s19+s13], $0x80, s6, s13, $0xb8;
	[tilespmem:$0x18B80] =	vst v63  }
0x49: {  	s23 =	simm.s32 $0x4200  }
0x4a: {  	[tilespmem:s23], [sflag:$0x4] =	stream.indirect.gather [hbm4b:s19+s13], $0x80, s13, s13, $0xb8;
	[tilespmem:$0x18B80] =	vst v63  }
0x4b: {  	_ =	swait.ge [sflag:s24], $0x8000  }
0x4c: {  	[sflag:s24] =	ssyncset.done $0x0  }
0x4d: {  	[sflag:s24] =	ssyncadd.s32 $0xFFFF8000  }
0x4e: {  	_ =	swait.ge [sflag:s24], $0x80  }
0x4f: {  	[sflag:s24] =	ssyncset.done $0x0  }
0x50: {  	[sflag:s24] =	ssyncadd.s32 $0xFFFFFF80  }
0x51: {  	_ =	swait.ge [sflag:s24], $0x80  }
0x52: {  	[sflag:s24] =	ssyncset.done $0x0  }
0x53: {  	[sflag:s24] =	ssyncadd.s32 $0xFFFFFF80  }
0x54: {  	_ =	swait.ge [sflag:s24], $0x100  }
0x55: {  	[sflag:s24] =	ssyncset.done $0x0  }
0x56: {  	[sflag:s24] =	ssyncadd.s32 $0xFFFFFF00  }
0x57: {  	v0 =	vld [tilespmem:$0x100]  }
0x58: {  	v2 =	vld [tilespmem:$0x110]  }
0x59: {  	v3 =	vld [tilespmem:$0x120]  }
0x5a: {  	v4 =	vld [tilespmem:$0x130]  }
0x5b: {  	v5 =	vld [tilespmem:$0x140]  }
0x5c: {  	v6 =	vld [tilespmem:$0x150]  }
0x5d: {  	v21 =	vld [tilespmem:$0x160]  }
0x5e: {  	v22 =	vld [tilespmem:$0x170]  }
0x5f: {  	v23 =	vld [tilespmem:$0x180]  }
0x60: {  	v24 =	vld [tilespmem:$0x190]  }
0x61: {  	v25 =	vld [tilespmem:$0x1A0]  }
0x62: {  	v26 =	vld [tilespmem:$0x1B0]  }
0x63: {  	v27 =	vld [tilespmem:$0x1C0]  }
0x64: {  	v28 =	vld [tilespmem:$0x1D0];
	v0 =	vcvt.s32.f32 v0  }
0x65: {  	v29 =	vld [tilespmem:$0x1E0];
	v2 =	vcvt.s32.f32 v2  }
0x66: {  	v30 =	vld [tilespmem:$0x1F0];
	[tilespmem:$0x18301] =	vst v0;
	v0 =	vcvt.s32.f32 v3  }
0x67: {  	v17 =	vld [tilespmem:$0x18200];
	[tilespmem:$0x18311] =	vst v2;
	v2 =	vcvt.s32.f32 v4  }
0x68: {  	v18 =	vld [tilespmem:$0x18210];
	[tilespmem:$0x18321] =	vst v0;
	v0 =	vcvt.s32.f32 v5  }
0x69: {  	v19 =	vld [tilespmem:$0x18220];
	[tilespmem:$0x18331] =	vst v2;
	v2 =	vcvt.s32.f32 v6  }
0x6a: {  	v20 =	vld [tilespmem:$0x18230];
	[tilespmem:$0x18341] =	vst v0;
	v0 =	vcvt.s32.f32 v21  }
0x6b: {  	v61 =	vld [tilespmem:$0x18290];
	[tilespmem:$0x18351] =	vst v2;
	v2 =	vcvt.s32.f32 v22  }
0x6c: {  	v62 =	vld [tilespmem:$0x182A0];
	[tilespmem:$0x18361] =	vst v0;
	v0 =	vcvt.s32.f32 v23  }
0x6d: {  	v63 =	vld [tilespmem:$0x182B0];
	[tilespmem:$0x18371] =	vst v2;
	v2 =	vcvt.s32.f32 v24  }
0x6e: {  	v3 =	vld [tilespmem:$0x18280];
	[tilespmem:$0x18381] =	vst v0;
	v0 =	vcvt.s32.f32 v25  }
0x6f: {  	v21 =	vld [tilespmem:$0x18240];
	[tilespmem:$0x18391] =	vst v2;
	v2 =	vcvt.s32.f32 v26  }
0x70: {  	v22 =	vld [tilespmem:$0x18250];
	[tilespmem:$0x183A1] =	vst v0;
	v0 =	vcvt.s32.f32 v27  }
0x71: {  	v23 =	vld [tilespmem:$0x18260];
	[tilespmem:$0x183B1] =	vst v2;
	v2 =	vcvt.s32.f32 v28  }
0x72: {  	v24 =	vld [tilespmem:$0x18270];
	[tilespmem:$0x183C1] =	vst v0;
	v0 =	vcvt.s32.f32 v29  }
0x73: {  	v29 =	vld [tilespmem:$0x182C0];
	[tilespmem:$0x183D1] =	vst v2;
	v2 =	vcvt.s32.f32 v30  }
0x74: {  	v30 =	vld [tilespmem:$0x182D0];
	[tilespmem:$0x183E1] =	vst v0  }
0x75: {  	v0 =	vld [tilespmem:$0x182E0];
	[tilespmem:$0x183F1] =	vst v2  }
0x76: {  	v2 =	vld [tilespmem:$0x182F0];
	_ =	swait.ge [sflag:s25], $0x4000  }
0x77: {  	[sflag:s25] =	ssyncset.done $0x0  }
0x78: {  	v25 =	vsub.f32 v3, v17;
	v26 =	vsub.f32 v61, v18;
	[sflag:s25] =	ssyncadd.s32 $0xFFFFC000  }
0x79: {  	v27 =	vsub.f32 v62, v19;
	v28 =	vsub.f32 v63, v20;
	_ =	swait.ge [sflag:s26], $0x4000  }
0x7a: {  	s2 =	simm.s32 $0x8300;
	s0 =	simm.s32 $0xFFFFFFFC;
	v29 =	vsub.f32 v29, v21;
	v30 =	vsub.f32 v30, v22;
	[sflag:s26] =	ssyncset.done $0x0  }
0x7b: {  	s3 =	simm.s32 $0x10300;
	s5 =	simm.s32 $0x300;
	v31 =	vsub.f32 v0, v23;
	v32 =	vsub.f32 v2, v24;
	[sflag:s26] =	ssyncadd.s32 $0xFFFFC000  }
.LBB2_2:
0x7c: {  	s15 =	sadd.s32 $0x5, s0  }
0x7d: {  	v2 =	vld [tilespmem:s5+$0xFFFFFF00];
	v0 =	vmov s15  }
0x7e: {  	v3 =	vld [tilespmem:s3+$0xFFFFFF00];
	v0 =	vand.u32 $0xFFFFFFFD, v0  }
0x7f: {  	v4 =	vld [tilespmem:s5+$0xFFFFFF10];
	v0 =	vbroadcast v0, $0x0  }
0x80: {  	v5 =	vld [tilespmem:s3+$0xFFFFFF10]  }
0x81: {  	v6 =	vld [tilespmem:s5+$0xFFFFFF20]  }
0x82: {  	v34 =	vld [tilespmem:s3+$0xFFFFFF20]  }
0x83: {  	v35 =	vld [tilespmem:s5+$0xFFFFFF30]  }
0x84: {  	v36 =	vld [tilespmem:s3+$0xFFFFFF30]  }
0x85: {  	v0 =	vld.idx.msk [tilespmem:v0+s28+$0x0], $0xffff  }
0x86: {  	v40 =	vld [tilespmem:s5+$0xFFFFFF50]  }
0x87: {  	v41 =	vld [tilespmem:s3+$0xFFFFFF50]  }
0x88: {  	v38 =	vld [tilespmem:s5+$0xFFFFFF40];
	s23 =	sadd.s32 $0x6, s0  }
0x89: {  	v62 =	vld [tilespmem:s5+$0xFFFFFF60];
	v60 =	vmov s23  }
0x8a: {  	v63 =	vld [tilespmem:s5+$0xFFFFFF70];
	v2 =	vadd.f32 v3, v2;
	v6 =	vadd.f32 v34, v6;
	v33 =	vmul.f32 v0, v25  }
0x8b: {  	v43 =	vld [tilespmem:s3+$0xFFFFFF70];
	v35 =	vadd.f32 v36, v35;
	v37 =	vmul.f32 v0, v26;
	v59 =	vmul.f32 v0, v28  }
0x8c: {  	v54 =	vld [tilespmem:s5+$0xFFFFFF80];
	v40 =	vadd.f32 v41, v40;
	v58 =	vmul.f32 v0, v27;
	v3 =	vadd.f32 v33, v17  }
0x8d: {  	v46 =	vld [tilespmem:s3+$0xFFFFFFA0];
	v39 =	vmul.f32 v0, v29;
	v57 =	vadd.f32 v37, v18;
	v34 =	vadd.f32 v59, v20  }
0x8e: {  	v52 =	vmul.f32 v0, v31;
	v33 =	vadd.f32 v2, v3;
	v2 =	vld [tilespmem:s3+$0xFFFFFF40];
	v3 =	vadd.f32 v5, v4  }
0x8f: {  	v37 =	vand.u32 $0xFFFFFFFE, v60;
	v61 =	vadd.f32 v39, v21;
	v5 =	vadd.f32 v58, v19;
	v58 =	vld [tilespmem:s5+$0xFFFFFFA0]  }
0x90: {  	v45 =	vld [tilespmem:s3+$0xFFFFFF80];
	v41 =	vadd.f32 v52, v23;
	v42 =	vbroadcast v37, $0x0;
	v37 =	vadd.f32 v3, v57  }
0x91: {  	v35 =	vadd.f32 v35, v34;
	v4 =	vadd.f32 v43, v63;
	v3 =	vld [tilespmem:s3+$0xFFFFFF60]  }
0x92: {  	v36 =	vadd.f32 v6, v5;
	v49 =	vmul.f32 v33, v33;
	v51 =	vmul.f32 v37, v37  }
0x93: {  	v47 =	vld [tilespmem:s3+$0xFFFFFFB0];
	v50 =	vadd.f32 v37, v33;
	v2 =	vadd.f32 v2, v38  }
0x94: {  	v60 =	vld [tilespmem:s5+$0xFFFFFFB0];
	v44 =	vmul.f32 v35, v35;
	v43 =	vadd.f32 v46, v58;
	v5 =	vadd.f32 v51, v49  }
0x95: {  	v53 =	vmul.f32 v36, v36;
	v58 =	vld [tilespmem:s5+$0xFFFFFFD0];
	v6 =	vadd.f32 v36, v50;
	v34 =	vadd.f32 v2, v61  }
0x96: {  	v49 =	vld.idx.msk [tilespmem:v42+s28+$0x0], $0xffff;
	v2 =	vmul.f32 v0, v30;
	v3 =	vadd.f32 v3, v62;
	v62 =	vadd.f32 v45, v54  }
0x97: {  	v50 =	vld [tilespmem:s3+$0xFFFFFFD0];
	v0 =	vmul.f32 v0, v32;
	v5 =	vadd.f32 v53, v5;
	v6 =	vadd.f32 v35, v6  }
0x98: {  	s1 =	sadd.s32 $0x7, s0;
	v52 =	vld [tilespmem:s5+$0xFFFFFFE0];
	v2 =	vadd.f32 v2, v22;
	v38 =	vadd.f32 v3, v41  }
0x99: {  	v51 =	vmov s1;
	v53 =	vld [tilespmem:s3+$0xFFFFFFE0];
	v0 =	vadd.f32 v0, v24;
	v3 =	vadd.f32 v44, v5  }
0x9a: {  	v57 =	vld [tilespmem:s3+$0xFFFFFF90];
	v56 =	vmul.f32 v34, v34;
	v55 =	vadd.f32 v34, v6;
	v39 =	vadd.f32 v40, v2  }
0x9b: {  	v2 =	vld [tilespmem:s5+$0xFFFFFF90];
	v40 =	vadd.f32 v4, v0;
	v0 =	vmul.f32 v49, v25;
	v4 =	vadd.f32 v47, v60  }
0x9c: {  	v63 =	vld [tilespmem:s5+$0xFFFFFFC0];
	v46 =	vadd.f32 v50, v58;
	v58 =	vmul.f32 v49, v31;
	v3 =	vadd.f32 v56, v3  }
0x9d: {  	v56 =	vld [tilespmem:s3+$0xFFFFFFC0];
	v5 =	vadd.f32 v39, v55;
	v59 =	vmul.f32 v39, v39;
	v0 =	vadd.f32 v0, v17  }
0x9e: {  	v61 =	vmul.f32 v38, v38;
	v52 =	vadd.f32 v53, v52;
	v50 =	vadd.f32 v58, v23  }
0x9f: {  	v55 =	vmul.f32 v49, v26;
	v3 =	vadd.f32 v59, v3;
	v5 =	vadd.f32 v38, v5  }
0xa0: {  	v41 =	vadd.f32 v62, v0;
	v59 =	vmul.f32 v49, v29;
	v0 =	vadd.f32 v57, v2  }
0xa1: {  	v2 =	vmul.f32 v49, v27;
	v3 =	vadd.f32 v61, v3;
	v48 =	vadd.f32 v40, v5  }
0xa2: {  	v54 =	vld [tilespmem:s5+$0x0];
	v57 =	vmul.f32 v49, v28;
	v5 =	vadd.f32 v55, v18;
	v6 =	vadd.f32 v56, v63  }
0xa3: {  	v61 =	vadd.f32 v59, v21;
	v55 =	vld [tilespmem:s3+$0x0];
	v2 =	vadd.f32 v2, v19  }
0xa4: {  	v51 =	vld.idx.msk [tilespmem:v51+s28+$0x0], $0xffff;
	v60 =	vadd.f32 v57, v20;
	v45 =	vadd.f32 v0, v5  }
0xa5: {  	v62 =	vmul.f32 v41, v41;
	v0 =	vld [tilespmem:s5+$0xFFFFFFF0];
	v44 =	vadd.f32 v43, v2;
	v2 =	vmul.f32 v49, v30  }
0xa6: {  	v42 =	vadd.f32 v6, v61;
	v43 =	vadd.f32 v4, v60;
	v4 =	vld [tilespmem:s3+$0xFFFFFFF0];
	v57 =	vmul.f32 v45, v45  }
0xa7: {  	v53 =	vld [tilespmem:s5+$0x10];
	v63 =	vadd.f32 v45, v41;
	v2 =	vadd.f32 v2, v22  }
0xa8: {  	v58 =	vld [tilespmem:s3+$0x30];
	v59 =	vmul.f32 v44, v44;
	v54 =	vadd.f32 v55, v54;
	v5 =	vadd.f32 v57, v62  }
0xa9: {  	v56 =	vmul.f32 v43, v43;
	v6 =	vadd.f32 v44, v63;
	v57 =	vld [tilespmem:s3+$0x10];
	v47 =	vadd.f32 v46, v2  }
0xaa: {  	v46 =	vadd.f32 v52, v50;
	v2 =	vmul.f32 v49, v32;
	v50 =	vld [tilespmem:s3+$0x40];
	v5 =	vadd.f32 v59, v5  }
0xab: {  	v61 =	vmul.f32 v40, v40;
	v6 =	vadd.f32 v43, v6;
	v0 =	vadd.f32 v4, v0;
	v4 =	vld [tilespmem:s5+$0x30]  }
0xac: {  	v60 =	vmul.f32 v42, v42;
	v59 =	vld [tilespmem:s5+$0x40];
	v2 =	vadd.f32 v2, v24;
	v5 =	vadd.f32 v56, v5  }
0xad: {  	v55 =	vld [tilespmem:s5+$0x50];
	v62 =	vmul.f32 v47, v47;
	v6 =	vadd.f32 v42, v6;
	v56 =	vadd.f32 v61, v3  }
0xae: {  	v49 =	vld [tilespmem:s5+$0x20];
	v0 =	vadd.f32 v0, v2;
	v2 =	vmul.f32 v51, v25;
	v5 =	vadd.f32 v60, v5  }
0xaf: {  	v7 =	vmul.f32 v51, v30;
	v53 =	vadd.f32 v57, v53;
	v57 =	vld [tilespmem:s3+$0x50];
	v6 =	vadd.f32 v47, v6  }
0xb0: {  	v52 =	vld [tilespmem:s3+$0x20];
	v2 =	vadd.f32 v2, v17;
	v3 =	vadd.f32 v62, v5;
	v5 =	vmul.f32 v51, v26  }
0xb1: {  	v60 =	vmul.f32 v46, v46;
	v4 =	vadd.f32 v58, v4;
	v58 =	vadd.f32 v50, v59  }
0xb2: {  	v63 =	vmul.f32 v51, v27;
	v61 =	vld [tilespmem:s5+$0x70];
	v59 =	vadd.f32 v7, v22;
	v5 =	vadd.f32 v5, v18  }
0xb3: {  	s16 =	sadd.s32 $0x14, s0;
	v50 =	vmul.f32 v51, v29;
	v60 =	vadd.f32 v60, v3;
	v3 =	vadd.f32 v54, v2;
	v54 =	vld [tilespmem:s3+$0x60]  }
0xb4: {  	v6 =	vadd.f32 v46, v6;
	v62 =	vmov s16;
	v55 =	vadd.f32 v57, v55;
	v57 =	vld [tilespmem:s3+$0x70]  }
0xb5: {  	v2 =	vadd.f32 v53, v5;
	v5 =	vadd.f32 v52, v49;
	v52 =	vld [tilespmem:s5+$0x60];
	v53 =	vmul.f32 v51, v28  }
0xb6: {  	v62 =	vand.u32 $0xFFFFFFFC, v62;
	v49 =	vadd.f32 v63, v19;
	v63 =	vadd.f32 v50, v21  }
0xb7: {  	v62 =	vbroadcast v62, $0x0;
	v6 =	vadd.f32 v0, v6;
	v53 =	vadd.f32 v53, v20  }
0xb8: {  	s17 =	sadd.s32 $0x15, s0;
	v50 =	vadd.f32 v5, v49;
	v5 =	vadd.f32 v58, v63;
	v7 =	vmul.f32 v2, v2  }
0xb9: {  	v58 =	vmov s17;
	v57 =	vadd.f32 v57, v61;
	v61 =	vmul.f32 v51, v31  }
0xba: {  	v49 =	vadd.f32 v4, v53;
	v52 =	vadd.f32 v54, v52;
	v54 =	vmul.f32 v3, v3  }
0xbb: {  	v58 =	vand.u32 $0xFFFFFFFD, v58;
	v4 =	vadd.f32 v55, v59;
	v59 =	vadd.f32 v2, v3  }
0xbc: {  	v51 =	vmul.f32 v51, v32;
	v54 =	vadd.f32 v7, v54;
	v7 =	vmul.f32 v50, v50  }
0xbd: {  	v53 =	vmul.f32 v0, v0;
	v58 =	vbroadcast v58, $0x0;
	v59 =	vadd.f32 v50, v59  }
0xbe: {  	v61 =	vadd.f32 v61, v23;
	v63 =	vmul.f32 v49, v49;
	v54 =	vadd.f32 v7, v54  }
0xbf: {  	v51 =	vadd.f32 v51, v24;
	v55 =	vmul.f32 v4, v4;
	v59 =	vadd.f32 v49, v59  }
0xc0: {  	s18 =	sadd.s32 $0x16, s0;
	v53 =	vadd.f32 v53, v60;
	v7 =	vmul.f32 v5, v5;
	v54 =	vadd.f32 v63, v54  }
0xc1: {  	[tilespmem:v62+s20+$0x0] =	vst.idx.add.f32.msk $0xffff, v48;
	v52 =	vadd.f32 v52, v61;
	v61 =	vadd.f32 v5, v59;
	v63 =	vmov s18  }
0xc2: {  	s19 =	sadd.s32 $0x8, s0;
	[tilespmem:v62+s21+$0x0] =	vst.idx.add.f32.msk $0xffff, v56;
	v51 =	vadd.f32 v57, v51;
	v59 =	vand.u32 $0xFFFFFFFE, v63;
	v54 =	vadd.f32 v7, v54  }
0xc3: {  	v56 =	vld [tilespmem:s5+$0xA0];
	v57 =	vadd.f32 v4, v61;
	v59 =	vbroadcast v59, $0x0;
	v7 =	vmov s19  }
0xc4: {  	v60 =	vld [tilespmem:s3+$0xB0];
	v63 =	vand.u32 $0xFFFFFFFC, v7;
	v48 =	vadd.f32 v55, v54;
	v54 =	vmul.f32 v52, v52  }
0xc5: {  	[tilespmem:s2+$0xFFFFFF10] =	vst v37;
	v37 =	vld [tilespmem:s3+$0xC0];
	v61 =	vadd.f32 v52, v57;
	v55 =	vbroadcast v63, $0x0  }
0xc6: {  	v62 =	vmul.f32 v51, v51;
	[tilespmem:v58+s20+$0x0] =	vst.idx.add.f32.msk $0xffff, v6;
	v48 =	vadd.f32 v54, v48  }
0xc7: {  	v7 =	vld [tilespmem:s3+$0x80];
	v63 =	vadd.f32 v51, v61  }
0xc8: {  	v54 =	vld [tilespmem:s5+$0x90];
	v48 =	vadd.f32 v62, v48  }
0xc9: {  	[tilespmem:v59+s20+$0x0] =	vst.idx.add.f32.msk $0xffff, v63  }
0xca: {  	[tilespmem:v59+s21+$0x0] =	vst.idx.add.f32.msk $0xffff, v48  }
0xcb: {  	v6 =	vld.idx.msk [tilespmem:v55+s28+$0x0], $0xffff  }
0xcc: {  	v48 =	vld [tilespmem:s5+$0x80]  }
0xcd: {  	v55 =	vld [tilespmem:s3+$0x90]  }
0xce: {  	v57 =	vld [tilespmem:s3+$0xA0]  }
0xcf: {  	[tilespmem:v58+s21+$0x0] =	vst.idx.add.f32.msk $0xffff, v53  }
0xd0: {  	v53 =	vld [tilespmem:s5+$0xC0]  }
0xd1: {  	[tilespmem:s2+$0xFFFFFF30] =	vst v35;
	v59 =	vld [tilespmem:s5+$0xB0];
	v58 =	vmul.f32 v6, v25;
	v7 =	vadd.f32 v7, v48  }
0xd2: {  	[tilespmem:s2+$0xFFFFFF60] =	vst v38;
	v38 =	vld [tilespmem:s5+$0xE0];
	v62 =	vmul.f32 v6, v27;
	v35 =	vadd.f32 v55, v54;
	v63 =	vmul.f32 v6, v28  }
0xd3: {  	[tilespmem:s2+$0xFFFFFF00] =	vst v33;
	v61 =	vmul.f32 v6, v26;
	v54 =	vadd.f32 v57, v56;
	v48 =	vld [tilespmem:s3+$0xE0];
	v58 =	vadd.f32 v58, v17  }
0xd4: {  	[tilespmem:s2+$0xFFFFFF20] =	vst v36;
	v57 =	vadd.f32 v62, v19;
	v62 =	vadd.f32 v63, v20  }
0xd5: {  	[tilespmem:s2+$0xFFFFFF40] =	vst v34;
	v56 =	vld [tilespmem:s3+$0xD0];
	v63 =	vmul.f32 v6, v29;
	v33 =	vadd.f32 v7, v58;
	v7 =	vadd.f32 v61, v18  }
0xd6: {  	[tilespmem:s2+$0xFFFFFF50] =	vst v39;
	v37 =	vadd.f32 v37, v53;
	v58 =	vld [tilespmem:s5+$0xD0];
	v61 =	vadd.f32 v60, v59  }
0xd7: {  	[tilespmem:s2+$0xFFFFFF70] =	vst v40;
	v36 =	vadd.f32 v63, v21;
	v34 =	vadd.f32 v35, v7  }
0xd8: {  	[tilespmem:s2+$0xFFFFFF80] =	vst v41;
	v38 =	vadd.f32 v48, v38;
	v35 =	vadd.f32 v54, v57;
	v7 =	vmul.f32 v6, v30  }
0xd9: {  	[tilespmem:s2+$0xFFFFFF90] =	vst v45;
	v39 =	vadd.f32 v61, v62;
	v60 =	vmul.f32 v33, v33;
	v61 =	vmul.f32 v34, v34  }
0xda: {  	[tilespmem:s2+$0xFFFFFFA0] =	vst v44;
	v59 =	vld [tilespmem:s3+$0xF0];
	v54 =	vmul.f32 v6, v31;
	v40 =	vadd.f32 v7, v22;
	v62 =	vadd.f32 v34, v33  }
0xdb: {  	[tilespmem:s2+$0xFFFFFFB0] =	vst v43;
	v7 =	vmul.f32 v35, v35;
	v57 =	vadd.f32 v56, v58;
	v58 =	vld [tilespmem:s5+$0xF0];
	v63 =	vadd.f32 v61, v60  }
0xdc: {  	[tilespmem:s2+$0xFFFFFFC0] =	vst v42;
	v36 =	vadd.f32 v37, v36;
	v6 =	vmul.f32 v6, v32;
	v37 =	vadd.f32 v35, v62  }
0xdd: {  	[tilespmem:s2+$0xFFFFFFF0] =	vst v0;
	v55 =	vmul.f32 v39, v39;
	v0 =	vadd.f32 v54, v23;
	v41 =	vadd.f32 v7, v63  }
0xde: {  	[tilespmem:s2+$0x0] =	vst v3;
	v3 =	vadd.f32 v6, v24;
	v37 =	vadd.f32 v39, v37  }
0xdf: {  	[tilespmem:s2+$0xFFFFFFD0] =	vst v47;
	v40 =	vadd.f32 v57, v40;
	v57 =	vmul.f32 v36, v36;
	v41 =	vadd.f32 v55, v41  }
0xe0: {  	[tilespmem:s2+$0xFFFFFFE0] =	vst v46;
	v56 =	vadd.f32 v59, v58;
	v58 =	vadd.f32 v36, v37  }
0xe1: {  	s23 =	sadd.s32 $0x17, s0;
	[tilespmem:s2+$0x10] =	vst v2;
	v0 =	vadd.f32 v38, v0;
	v59 =	vmul.f32 v40, v40;
	v2 =	vadd.f32 v57, v41  }
0xe2: {  	[tilespmem:s2+$0x20] =	vst v50;
	v61 =	vmov s23;
	v6 =	vadd.f32 v40, v58  }
0xe3: {  	[tilespmem:s2+$0x30] =	vst v49;
	v60 =	vmul.f32 v0, v0;
	v3 =	vadd.f32 v56, v3;
	v2 =	vadd.f32 v59, v2  }
0xe4: {  	[tilespmem:s2+$0x40] =	vst v5;
	v62 =	vadd.f32 v0, v6  }
0xe5: {  	[tilespmem:s2+$0x50] =	vst v4;
	v63 =	vmul.f32 v3, v3;
	v2 =	vadd.f32 v60, v2  }
0xe6: {  	[tilespmem:s2+$0x60] =	vst v52;
	v5 =	vadd.f32 v3, v62  }
0xe7: {  	[tilespmem:s2+$0x70] =	vst v51;
	v2 =	vadd.f32 v63, v2  }
0xe8: {  	[tilespmem:v61+s20+$0x0] =	vst.idx.add.f32.msk $0xffff, v5  }
0xe9: {  	[tilespmem:v61+s21+$0x0] =	vst.idx.add.f32.msk $0xffff, v2  }
0xea: {  	[tilespmem:s2+$0x80] =	vst v33  }
0xeb: {  	s0 =	sadd.s32 $0x4, s0;
	[tilespmem:s2+$0x90] =	vst v34  }
0xec: {  	p0 =	slt.u32 s0, $0xFC;
	[tilespmem:s2+$0xA0] =	vst v35  }
.Ltmp0:
0xed: {  	[tilespmem:s2+$0xB0] =	vst v39;
	(pc) =	sbr.rel @p0 .LBB2_2-.Ltmp0, $4  }
0xee: {  	[tilespmem:s2+$0xC0] =	vst v36  }
0xef: {  	[tilespmem:s2+$0xD0] =	vst v40  }
0xf0: {  	[tilespmem:s2+$0xE0] =	vst v0  }
0xf1: {  	s3 =	sadd.s32 $0x200, s3;
	s5 =	sadd.s32 $0x200, s5;
	[tilespmem:s2+$0xF0] =	vst v3;
	s2 =	sadd.s32 $0x200, s2  }
0xf2: {  	s0 =	simm.s32 $0x185A0  }
0xf3: {  	v0 =	vld [tilespmem:s0+$0x0]  }
0xf4: {  	s2 =	simm.s32 $0x18720  }
0xf5: {  	v2 =	vld [tilespmem:s2+$0x0];
	_ =	sdelay $0x2  }
0xf6: {  	v37 =	vmul.f32 $7.812500000e-03, v0;
	v0 =	vld [tilespmem:s0+$0xFFFFFFF0];
	_ =	sdelay $0x1  }
0xf7: {  	v2 =	vmul.f32 $7.812500000e-03, v2;
	v3 =	vmul.f32 v37, v37  }
0xf8: {  	s16 =	simm.s32 $0x185C0;
	v4 =	vld [tilespmem:s2+$0xFFFFFFF0]  }
0xf9: {  	v5 =	vld [tilespmem:s16+$0x0];
	v3 =	vsub.f32 v2, v3  }
0xfa: {  	s17 =	simm.s32 $0x18740;
	v17 =	vld [tilespmem:s16+$0xFFFFFFF0];
	v2 =	vmul.f32 $7.812500000e-03, v0  }
0xfb: {  	s18 =	simm.s32 $0x185E0;
	v0 =	vadd.f32 $9.999999740e-06, v3;
	v3 =	vld [tilespmem:s17+$0x0]  }
0xfc: {  	s23 =	simm.s32 $0x18600;
	v21 =	vld [tilespmem:s18+$0x0];
	v6 =	vmul.f32 v2, v2  }
0xfd: {  	v40 =	vld [tilespmem:s23+$0x0];
	v18 =	vshra.s32 v0, $0x1;
	v20 =	vmul.f32 $5.000000000e-01, v0;
	v0 =	vmul.f32 $7.812500000e-03, v4  }
0xfe: {  	v28 =	vmul.f32 $7.812500000e-03, v5;
	v4 =	vsub.s32 $0x5F3759DF, v18  }
0xff: {  	v35 =	vmul.f32 $7.812500000e-03, v17;
	v17 =	vld [tilespmem:s18+$0xFFFFFFF0];
	v5 =	vmul.f32 v4, v20;
	v0 =	vsub.f32 v0, v6  }
0x100: {  	v18 =	vmul.f32 v28, v28;
	v3 =	vmul.f32 $7.812500000e-03, v3  }
0x101: {  	v36 =	vmul.f32 $7.812500000e-03, v21;
	v6 =	vld [tilespmem:s17+$0xFFFFFFF0];
	v5 =	vmul.f32 v4, v5;
	v0 =	vadd.f32 $9.999999740e-06, v0  }
0x102: {  	v40 =	vmul.f32 $7.812500000e-03, v40;
	v19 =	vmul.f32 v35, v35;
	v3 =	vsub.f32 v3, v18  }
0x103: {  	v5 =	vsub.f32 $1.500000000e+00, v5;
	v18 =	vmul.f32 $5.000000000e-01, v0;
	v0 =	vshra.s32 v0, $0x1  }
0x104: {  	s19 =	simm.s32 $0x18760;
	v34 =	vmul.f32 $7.812500000e-03, v17;
	v3 =	vadd.f32 $9.999999740e-06, v3;
	v0 =	vsub.s32 $0x5F3759DF, v0  }
0x105: {  	v4 =	vmul.f32 v4, v5;
	v5 =	vld [tilespmem:s19+$0x0];
	v24 =	vmul.f32 v0, v18  }
0x106: {  	s15 =	simm.s32 $0x18780;
	v6 =	vmul.f32 $7.812500000e-03, v6;
	v22 =	vshra.s32 v3, $0x1;
	v44 =	vmul.f32 $5.000000000e-01, v3;
	v3 =	vld [tilespmem:s19+$0xFFFFFFF0]  }
0x107: {  	v45 =	vld [tilespmem:s15+$0xFFFFFFF0];
	v22 =	vsub.s32 $0x5F3759DF, v22;
	v23 =	vmul.f32 v4, v20;
	v17 =	vmul.f32 v0, v24  }
0x108: {  	v21 =	vmul.f32 v34, v34;
	v6 =	vsub.f32 v6, v19;
	v25 =	vmul.f32 v22, v44  }
0x109: {  	v19 =	vmul.f32 v23, v4;
	v17 =	vsub.f32 $1.500000000e+00, v17;
	v23 =	vmul.f32 v36, v36  }
0x10a: {  	v5 =	vmul.f32 $7.812500000e-03, v5;
	v24 =	vmul.f32 v22, v25  }
0x10b: {  	v31 =	vld [tilespmem:$0x18480];
	v6 =	vadd.f32 $9.999999740e-06, v6;
	v3 =	vmul.f32 $7.812500000e-03, v3;
	v26 =	vmul.f32 v0, v17  }
0x10c: {  	v29 =	vld [tilespmem:$0x18490];
	v45 =	vmul.f32 $7.812500000e-03, v45;
	v19 =	vsub.f32 $1.500000000e+00, v19;
	v0 =	vsub.f32 v5, v23  }
0x10d: {  	v27 =	vld [tilespmem:$0x184A0];
	v5 =	vsub.f32 $1.500000000e+00, v24;
	v3 =	vsub.f32 v3, v21;
	v17 =	vmul.f32 v26, v18  }
0x10e: {  	v33 =	vld [tilespmem:$0x18500];
	v42 =	vmul.f32 $5.000000000e-01, v6;
	v4 =	vmul.f32 v19, v4;
	v24 =	vadd.f32 $9.999999740e-06, v0  }
0x10f: {  	v0 =	vadd.f32 $9.999999740e-06, v3;
	v3 =	vmul.f32 v22, v5;
	v5 =	vld [tilespmem:s23+$0xFFFFFFF0];
	v17 =	vmul.f32 v17, v26  }
0x110: {  	v32 =	vld [tilespmem:$0x18510];
	v20 =	vmul.f32 v4, v20;
	v30 =	vshra.s32 v24, $0x1;
	v38 =	vmul.f32 $5.000000000e-01, v24  }
0x111: {  	v22 =	vld [tilespmem:s15+$0x0];
	v47 =	vsub.s32 $0x5F3759DF, v30;
	v24 =	vmul.f32 v3, v44;
	v30 =	vsub.f32 $1.500000000e+00, v17  }
0x112: {  	v25 =	vld [tilespmem:$0x184B0];
	v6 =	vshra.s32 v6, $0x1;
	v41 =	vmul.f32 $5.000000000e-01, v0;
	v20 =	vmul.f32 v20, v4  }
0x113: {  	v46 =	vsub.s32 $0x5F3759DF, v6;
	v23 =	vld [tilespmem:$0x184C0];
	v43 =	vmul.f32 v47, v38;
	v48 =	vmul.f32 v30, v26  }
0x114: {  	v21 =	vld [tilespmem:$0x184D0];
	v39 =	vmul.f32 $7.812500000e-03, v5;
	v5 =	vmul.f32 v46, v42  }
0x115: {  	v19 =	vld [tilespmem:$0x184E0];
	v24 =	vmul.f32 v24, v3;
	v6 =	vmul.f32 v48, v18  }
0x116: {  	v17 =	vld [tilespmem:$0x184F0];
	v49 =	vmul.f32 $7.812500000e-03, v22;
	v5 =	vmul.f32 v46, v5  }
0x117: {  	v30 =	vld [tilespmem:$0x18520];
	v20 =	vsub.f32 $1.500000000e+00, v20;
	v43 =	vmul.f32 v47, v43;
	v51 =	vmul.f32 v6, v48  }
0x118: {  	v26 =	vld [tilespmem:$0x18530];
	v50 =	vsub.f32 $1.500000000e+00, v24;
	v18 =	vmul.f32 v39, v39;
	v5 =	vsub.f32 $1.500000000e+00, v5  }
0x119: {  	v22 =	vld [tilespmem:$0x18550];
	v6 =	vmul.f32 v20, v4;
	v4 =	vmul.f32 v40, v40;
	v51 =	vsub.f32 $1.500000000e+00, v51  }
0x11a: {  	v24 =	vld [tilespmem:$0x18540];
	v3 =	vmul.f32 v50, v3;
	v45 =	vsub.f32 v45, v18;
	v5 =	vmul.f32 v46, v5  }
0x11b: {  	s5 =	simm.s32 $0x18A20;
	s16 =	simm.s32 $0x188A0;
	v63 =	vsub.f32 $1.500000000e+00, v43;
	v20 =	vld [tilespmem:$0x18560];
	v4 =	vsub.f32 v49, v4;
	v48 =	vmul.f32 v51, v48  }
0x11c: {  	s3 =	simm.s32 $0x188C0;
	s2 =	simm.s32 $0x18A40;
	s18 =	simm.s32 $0x18620;
	v18 =	vld [tilespmem:$0x18570];
	[tilespmem:s16+$0x0] =	vst v6;
	v44 =	vmul.f32 v3, v44;
	v43 =	vadd.f32 $9.999999740e-06, v45;
	v46 =	vmul.f32 v5, v42  }
0x11d: {  	s0 =	simm.s32 $0x18A60;
	s17 =	simm.s32 $0x6;
	v45 =	vadd.f32 $9.999999740e-06, v4;
	v4 =	vmul.f32 v47, v63;
	[tilespmem:s16+$0xFFFFFFF0] =	vst v48;
	v2 =	vmul.f32 v48, v2;
	s16 =	simm.s32 $0x188C0  }
.LBB2_4:
0x11e: {  	v47 =	vld [tilespmem:s18+$0xFFFFFFF0];
	s17 =	sadd.s32 $0x2, s17;
	v48 =	vmul.f32 $5.000000000e-01, v43;
	s15 =	sadd.s32 $0x20, s15;
	v49 =	vshra.s32 v0, $0x1;
	v7 =	vmul.f32 v46, v5;
	s3 =	sadd.s32 $0x20, s3;
	v50 =	vmovc v34;
	v34 =	vmovc v39  }
0x11f: {  	s19 =	smov.u32 s16;
	v46 =	vld [tilespmem:s15+$0x0];
	p0 =	slt.u32 s17, $0xE;
	v39 =	vshra.s32 v45, $0x1;
	v45 =	vmul.f32 $5.000000000e-01, v45;
	[tilespmem:s5+$0xFFFFFFF0] =	vst v2;
	v2 =	vmul.f32 v6, v37;
	v37 =	vmovc v28;
	v28 =	vmovc v36;
	s16 =	smov.u32 s3  }
0x120: {  	v0 =	vmovc v43;
	v36 =	vmovc v40;
	v6 =	vld [tilespmem:s15+$0xFFFFFFF0];
	v51 =	vsub.s32 $0x5F3759DF, v39;
	v39 =	vmul.f32 v4, v38;
	v52 =	vsub.f32 $1.500000000e+00, v7  }
0x121: {  	v44 =	vmul.f32 v44, v3;
	v49 =	vsub.s32 $0x5F3759DF, v49;
	v40 =	vld [tilespmem:s18+$0x0];
	v43 =	vmul.f32 v51, v45;
	[tilespmem:s5+$0x0] =	vst v2;
	s5 =	smov.u32 s2;
	s2 =	smov.u32 s0  }
0x122: {  	v2 =	vmul.f32 v39, v4;
	v52 =	vmul.f32 v52, v5  }
0x123: {  	v5 =	vmul.f32 v49, v41;
	v39 =	vmul.f32 $7.812500000e-03, v47  }
0x124: {  	v46 =	vmul.f32 $7.812500000e-03, v46;
	v47 =	vmul.f32 v52, v42;
	v42 =	vmovc v41;
	v41 =	vmov v48  }
0x125: {  	v44 =	vsub.f32 $1.500000000e+00, v44;
	v5 =	vmul.f32 v49, v5;
	v48 =	vmul.f32 v39, v39  }
0x126: {  	v2 =	vsub.f32 $1.500000000e+00, v2;
	v40 =	vmul.f32 $7.812500000e-03, v40;
	v47 =	vmul.f32 v47, v52  }
0x127: {  	v53 =	vmul.f32 $7.812500000e-03, v6;
	v6 =	vmul.f32 v44, v3;
	v5 =	vsub.f32 $1.500000000e+00, v5  }
.Ltmp1:
0x128: {  	v43 =	vmul.f32 v51, v43;
	v44 =	vmul.f32 v40, v40;
	v47 =	vsub.f32 $1.500000000e+00, v47;
	(pc) =	sbr.rel @p0 .LBB2_4-.Ltmp1, $4  }
0x129: {  	v3 =	vmul.f32 v2, v4;
	v48 =	vsub.f32 v53, v48;
	v5 =	vmul.f32 v49, v5;
	[tilespmem:s19+$0x0] =	vst v6  }
0x12a: {  	v4 =	vsub.f32 $1.500000000e+00, v43;
	v2 =	vsub.f32 v46, v44;
	v47 =	vmul.f32 v47, v52  }
0x12b: {  	v43 =	vadd.f32 $9.999999740e-06, v48;
	v46 =	vmul.f32 v5, v42;
	v44 =	vmul.f32 v3, v38;
	v38 =	vmovc v45  }
0x12c: {  	s18 =	sadd.s32 $0x20, s18;
	s0 =	sadd.s32 $0x20, s0;
	v4 =	vmul.f32 v51, v4;
	v45 =	vadd.f32 $9.999999740e-06, v2;
	[tilespmem:s19+$0xFFFFFFF0] =	vst v47;
	v2 =	vmul.f32 v47, v35;
	v35 =	vmovc v50  }
0x12d: {  	v0 =	vshra.s32 v0, $0x1;
	v47 =	vmul.f32 $5.000000000e-01, v43;
	v46 =	vmul.f32 v46, v5  }
0x12e: {  	v0 =	vsub.s32 $0x5F3759DF, v0;
	v49 =	vshra.s32 v45, $0x1;
	v45 =	vmul.f32 $5.000000000e-01, v45  }
0x12f: {  	v52 =	vshra.s32 v43, $0x1;
	v48 =	vmul.f32 v0, v41;
	v62 =	vsub.s32 $0x5F3759DF, v49  }
0x130: {  	v43 =	vsub.s32 $0x5F3759DF, v52;
	v50 =	vmul.f32 v62, v45  }
0x131: {  	v46 =	vsub.f32 $1.500000000e+00, v46;
	v54 =	vmul.f32 v43, v47;
	v48 =	vmul.f32 v0, v48  }
0x132: {  	v63 =	vmul.f32 v4, v38;
	v55 =	vmul.f32 v62, v50  }
0x133: {  	v53 =	vmul.f32 v46, v5;
	v46 =	vmul.f32 v43, v54;
	v48 =	vsub.f32 $1.500000000e+00, v48  }
0x134: {  	v6 =	vmul.f32 v6, v37;
	v44 =	vmul.f32 v44, v3;
	v57 =	vsub.f32 $1.500000000e+00, v55  }
0x135: {  	v49 =	vmul.f32 v63, v4;
	v46 =	vsub.f32 $1.500000000e+00, v46;
	v0 =	vmul.f32 v0, v48  }
0x136: {  	v42 =	vmul.f32 v53, v42;
	v37 =	vmul.f32 v62, v57  }
0x137: {  	v43 =	vmul.f32 v43, v46;
	v56 =	vmul.f32 v0, v41  }
0x138: {  	v42 =	vmul.f32 v42, v53;
	v62 =	vmul.f32 v37, v45  }
0x139: {  	v44 =	vsub.f32 $1.500000000e+00, v44;
	v63 =	vmul.f32 v43, v47;
	v59 =	vmul.f32 v56, v0  }
0x13a: {  	v58 =	vsub.f32 $1.500000000e+00, v49;
	v42 =	vsub.f32 $1.500000000e+00, v42;
	v50 =	vmul.f32 v62, v37  }
0x13b: {  	v3 =	vmul.f32 v44, v3;
	v51 =	vmul.f32 v63, v43;
	v61 =	vsub.f32 $1.500000000e+00, v59  }
0x13c: {  	v60 =	vmul.f32 v58, v4;
	v5 =	vmul.f32 v42, v53;
	v42 =	vsub.f32 $1.500000000e+00, v50  }
0x13d: {  	v55 =	vmul.f32 v3, v28;
	v44 =	vsub.f32 $1.500000000e+00, v51;
	v0 =	vmul.f32 v61, v0  }
0x13e: {  	[tilespmem:s5+$0xFFFFFFF0] =	vst v2;
	v52 =	vmul.f32 v60, v38;
	v2 =	vmul.f32 v42, v37  }
0x13f: {  	v54 =	vmul.f32 v44, v43;
	v53 =	vmul.f32 v0, v41  }
0x140: {  	[tilespmem:s16+$0x0] =	vst v3;
	v38 =	vmul.f32 v52, v60;
	v3 =	vmul.f32 v2, v45  }
0x141: {  	v57 =	vmul.f32 v54, v47;
	v41 =	vmul.f32 v53, v0  }
0x142: {  	[tilespmem:s5+$0x0] =	vst v6;
	v28 =	vsub.f32 $1.500000000e+00, v38;
	v3 =	vmul.f32 v3, v2  }
0x143: {  	[tilespmem:s2+$0x0] =	vst v55;
	v35 =	vmul.f32 v5, v35;
	v58 =	vmul.f32 v57, v54;
	v56 =	vsub.f32 $1.500000000e+00, v41  }
0x144: {  	[tilespmem:s16+$0xFFFFFFF0] =	vst v5;
	v4 =	vmul.f32 v28, v60;
	v3 =	vsub.f32 $1.500000000e+00, v3  }
0x145: {  	s3 =	sadd.s32 $0x20, s3;
	[tilespmem:s2+$0xFFFFFFF0] =	vst v35;
	v5 =	vsub.f32 $1.500000000e+00, v58;
	v0 =	vmul.f32 v56, v0  }
0x146: {  	[tilespmem:s3+$0x0] =	vst v4;
	v2 =	vmul.f32 v3, v2  }
0x147: {  	s18 =	sadd.s32 $0x20, s3;
	v3 =	vmul.f32 v5, v54;
	[tilespmem:s3+$0xFFFFFFF0] =	vst v0  }
0x148: {  	s15 =	simm.s32 $0x11;
	s16 =	simm.s32 $0x10;
	v59 =	vmul.f32 v0, v34;
	v0 =	vmul.f32 v4, v36;
	[tilespmem:s18+$0x0] =	vst v2  }
0x149: {  	s17 =	simm.s32 $0x13;
	v60 =	vmov s16;
	v61 =	vmov s15;
	[tilespmem:s18+$0xFFFFFFF0] =	vst v3  }
0x14a: {  	v4 =	vand.u32 $0xFFFFFFFC, v60;
	v62 =	vmul.f32 v3, v39;
	[tilespmem:s0+$0x0] =	vst v0;
	v0 =	vmov s17  }
0x14b: {  	s19 =	sadd.s32 $0x20, s0;
	v5 =	vand.u32 $0xFFFFFFFD, v61;
	v4 =	vbroadcast v4, $0x0;
	v2 =	vmul.f32 v2, v40;
	[tilespmem:s0+$0xFFFFFFF0] =	vst v59  }
0x14c: {  	s23 =	simm.s32 $0x12;
	v3 =	vbroadcast v5, $0x0;
	[tilespmem:s19+$0xFFFFFFF0] =	vst v62  }
0x14d: {  	v63 =	vmov s23;
	s2 =	simm.s32 $0x8300;
	[tilespmem:s19+$0x0] =	vst v2  }
0x14e: {  	v2 =	vand.u32 $0xFFFFFFFE, v63;
	v63 =	vld [tilespmem:s2+$0x0]  }
0x14f: {  	v35 =	vld.idx.msk [tilespmem:v0+s30+$0x0], $0xffff  }
0x150: {  	v2 =	vbroadcast v2, $0x0;
	v34 =	vld.idx.msk [tilespmem:v0+s29+$0x0], $0xffff  }
0x151: {  	v36 =	vld.idx.msk [tilespmem:v4+s30+$0x0], $0xffff  }
0x152: {  	p2 =	por $0x1, $0x1;
	v43 =	vld.idx.msk [tilespmem:v3+s30+$0x0], $0xffff  }
.Ltmp2:
0x153: {  	v62 =	vld.idx.msk [tilespmem:v3+s29+$0x0], $0xffff;
	(pc) =	sbr.rel @!p2 .LBB2_6-.Ltmp2, $4  }
0x154: {  	v37 =	vld.idx.msk [tilespmem:v4+s29+$0x0], $0xffff  }
0x155: {  	v0 =	vld [tilespmem:s2+$0xFFFFFF00]  }
0x156: {  	v47 =	vld.idx.msk [tilespmem:v2+s29+$0x0], $0xffff  }
0x157: {  	p0 =	por $0x0, $0x0;
	p1 =	por $0x0, $0x0;
	s0 =	simm.s32 $0x300;
	v46 =	vld.idx.msk [tilespmem:v2+s30+$0x0], $0xffff  }
0x158: {  	_ =	sdelay $0x2  }
0x159: {  	v2 =	vmul.f32 v63, v47;
	_ =	sdelay $0x1  }
0x15a: {  	v2 =	vsub.f32 v2, v46  }
0x15b: {  	v4 =	vld [tilespmem:s2+$0x80]  }
0x15c: {  	v3 =	vld [tilespmem:s2+$0xFFFFFF80];
	v0 =	vmul.f32 v0, v37;
	v2 =	vmul.f32 v2, v31;
	_ =	sdelay $0x1  }
0x15d: {  	v0 =	vsub.f32 v0, v36;
	v2 =	vadd.f32 v2, v33;
	_ =	sdelay $0x1  }
0x15e: {  	v4 =	vmul.f32 v4, v34;
	v0 =	vmul.f32 v0, v31;
	[tilespmem:s0+$0x0] =	vst v2  }
0x15f: {  	v2 =	vmul.f32 v3, v62;
	v3 =	vld [tilespmem:s2+$0x10]  }
0x160: {  	v4 =	vsub.f32 v4, v35;
	v0 =	vadd.f32 v0, v33  }
0x161: {  	v2 =	vsub.f32 v2, v43  }
0x162: {  	v4 =	vmul.f32 v4, v31;
	[tilespmem:s0+$0xFFFFFF00] =	vst v0  }
0x163: {  	v0 =	vmul.f32 v2, v31;
	v2 =	vld [tilespmem:s2+$0xFFFFFF10]  }
0x164: {  	v4 =	vadd.f32 v4, v33;
	v3 =	vmul.f32 v3, v47  }
0x165: {  	v0 =	vadd.f32 v0, v33  }
0x166: {  	[tilespmem:s0+$0x80] =	vst v4;
	v3 =	vsub.f32 v3, v46  }
0x167: {  	v4 =	vld [tilespmem:s2+$0x90];
	[tilespmem:s0+$0xFFFFFF80] =	vst v0  }
0x168: {  	v0 =	vld [tilespmem:s2+$0xFFFFFF90];
	v2 =	vmul.f32 v2, v37;
	v3 =	vmul.f32 v3, v29;
	_ =	sdelay $0x1  }
0x169: {  	v2 =	vsub.f32 v2, v36;
	v3 =	vadd.f32 v3, v32;
	_ =	sdelay $0x1  }
0x16a: {  	v4 =	vmul.f32 v4, v34;
	v2 =	vmul.f32 v2, v29;
	[tilespmem:s0+$0x10] =	vst v3  }
0x16b: {  	v0 =	vmul.f32 v0, v62;
	v3 =	vld [tilespmem:s2+$0x20]  }
0x16c: {  	v4 =	vsub.f32 v4, v35;
	v2 =	vadd.f32 v2, v32  }
0x16d: {  	v0 =	vsub.f32 v0, v43  }
0x16e: {  	v4 =	vmul.f32 v4, v29;
	[tilespmem:s0+$0xFFFFFF10] =	vst v2  }
0x16f: {  	v0 =	vmul.f32 v0, v29;
	v2 =	vld [tilespmem:s2+$0xFFFFFF20]  }
0x170: {  	v4 =	vadd.f32 v4, v32;
	v3 =	vmul.f32 v3, v47  }
0x171: {  	s3 =	simm.s32 $0x17;
	s5 =	simm.s32 $0x14;
	v0 =	vadd.f32 v0, v32  }
0x172: {  	s19 =	simm.s32 $0x15;
	v5 =	vmov s3;
	v6 =	vmov s5;
	[tilespmem:s0+$0x90] =	vst v4;
	v3 =	vsub.f32 v3, v46  }
0x173: {  	v28 =	vmov s19;
	v6 =	vand.u32 $0xFFFFFFFC, v6;
	v4 =	vld [tilespmem:s2+$0xA0];
	[tilespmem:s0+$0xFFFFFF90] =	vst v0  }
0x174: {  	v0 =	vand.u32 $0xFFFFFFFD, v28;
	v28 =	vld [tilespmem:s2+$0xFFFFFFA0];
	v2 =	vmul.f32 v2, v37;
	v3 =	vmul.f32 v3, v27  }
0x175: {  	v6 =	vbroadcast v6, $0x0  }
0x176: {  	v0 =	vbroadcast v0, $0x0;
	v2 =	vsub.f32 v2, v36;
	v3 =	vadd.f32 v3, v30  }
0x177: {  	s23 =	simm.s32 $0x16;
	v41 =	vld.idx.msk [tilespmem:v5+s30+$0x0], $0xffff  }
0x178: {  	v38 =	vmov s23;
	v48 =	vld.idx.msk [tilespmem:v5+s29+$0x0], $0xffff;
	v2 =	vmul.f32 v2, v27;
	[tilespmem:s0+$0x20] =	vst v3  }
0x179: {  	s5 =	simm.s32 $0x8500;
	v5 =	vand.u32 $0xFFFFFFFE, v38;
	v4 =	vmul.f32 v4, v34;
	v3 =	vmul.f32 v28, v62;
	v28 =	vld [tilespmem:s2+$0x30]  }
0x17a: {  	v63 =	vld [tilespmem:s5+$0x0];
	v5 =	vbroadcast v5, $0x0;
	v2 =	vadd.f32 v2, v30  }
0x17b: {  	v39 =	vld.idx.msk [tilespmem:v6+s30+$0x0], $0xffff;
	v4 =	vsub.f32 v4, v35;
	v3 =	vsub.f32 v3, v43  }
0x17c: {  	v38 =	vld.idx.msk [tilespmem:v0+s30+$0x0], $0xffff;
	[tilespmem:s0+$0xFFFFFF20] =	vst v2  }
0x17d: {  	p2 =	por $0x1, $0x1;
	v4 =	vmul.f32 v4, v27;
	v2 =	vmul.f32 v3, v27;
	v3 =	vld [tilespmem:s2+$0xFFFFFF30]  }
.Ltmp3:
0x17e: {  	v50 =	vld.idx.msk [tilespmem:v0+s29+$0x0], $0xffff;
	v0 =	vmul.f32 v28, v47;
	(pc) =	sbr.rel @!p2 .LBB2_8-.Ltmp3, $4  }
0x17f: {  	v49 =	vld.idx.msk [tilespmem:v6+s29+$0x0], $0xffff;
	v4 =	vadd.f32 v4, v30  }
0x180: {  	v51 =	vld.idx.msk [tilespmem:v5+s29+$0x0], $0xffff;
	v2 =	vadd.f32 v2, v30;
	v6 =	vsub.f32 v0, v46  }
0x181: {  	v52 =	vld.idx.msk [tilespmem:v5+s30+$0x0], $0xffff;
	[tilespmem:s0+$0xA0] =	vst v4  }
0x182: {  	p0 =	por $0x1, $0x1;
	[tilespmem:s0+$0xFFFFFFA0] =	vst v2;
	v0 =	vld [tilespmem:s5+$0xFFFFFF00];
	v61 =	vmul.f32 v3, v37;
	v4 =	vmul.f32 v6, v25  }
0x183: {  	_ = 	snop  }
0x184: {  	v2 =	vadd.f32 v4, v26  }
0x185: {  	v3 =	vld [tilespmem:s5+$0xFFFFFF80];
	v4 =	vsub.f32 v61, v36;
	v5 =	vmul.f32 v63, v51  }
0x186: {  	v6 =	vld [tilespmem:s5+$0x80];
	[tilespmem:s0+$0x30] =	vst v2  }
0x187: {  	v2 =	vmul.f32 v4, v25;
	v4 =	vsub.f32 v5, v52;
	v5 =	vld [tilespmem:s2+$0x40]  }
0x188: {  	v0 =	vmul.f32 v0, v49  }
0x189: {  	v2 =	vadd.f32 v2, v26;
	v4 =	vmul.f32 v4, v31  }
0x18a: {  	v28 =	vld [tilespmem:s2+$0xFFFFFFB0];
	v3 =	vmul.f32 v3, v50;
	v0 =	vsub.f32 v0, v39  }
0x18b: {  	v40 =	vld [tilespmem:s2+$0xB0];
	v6 =	vmul.f32 v6, v48;
	[tilespmem:s0+$0xFFFFFF30] =	vst v2;
	v2 =	vadd.f32 v4, v33  }
0x18c: {  	s16 =	simm.s32 $0x500;
	v3 =	vsub.f32 v3, v38;
	v4 =	vld [tilespmem:s2+$0xFFFFFF40];
	v0 =	vmul.f32 v0, v31;
	v5 =	vmul.f32 v5, v47  }
0x18d: {  	v6 =	vsub.f32 v6, v41;
	[tilespmem:s16+$0x0] =	vst v2  }
0x18e: {  	v2 =	vmul.f32 v3, v31;
	v0 =	vadd.f32 v0, v33;
	v3 =	vld [tilespmem:s5+$0x10];
	v5 =	vsub.f32 v5, v46  }
0x18f: {  	v28 =	vmul.f32 v28, v62;
	v6 =	vmul.f32 v6, v31  }
0x190: {  	v40 =	vmul.f32 v40, v34;
	v2 =	vadd.f32 v2, v33;
	[tilespmem:s16+$0xFFFFFF00] =	vst v0;
	v0 =	vmul.f32 v5, v23  }
0x191: {  	v5 =	vadd.f32 v6, v33;
	v4 =	vmul.f32 v4, v37;
	v6 =	vsub.f32 v28, v43;
	v28 =	vld [tilespmem:s5+$0xFFFFFF10]  }
0x192: {  	[tilespmem:s16+$0xFFFFFF80] =	vst v2;
	v2 =	vsub.f32 v40, v35;
	v0 =	vadd.f32 v0, v24  }
0x193: {  	s18 =	simm.s32 $0x18;
	v58 =	vld [tilespmem:s5+$0xFFFFFF90];
	[tilespmem:s16+$0x80] =	vst v5;
	v4 =	vsub.f32 v4, v36;
	v5 =	vmul.f32 v6, v25;
	v3 =	vmul.f32 v3, v51  }
0x194: {  	v44 =	vmov s18;
	v6 =	vld [tilespmem:s5+$0x90];
	v2 =	vmul.f32 v2, v25;
	[tilespmem:s0+$0x40] =	vst v0  }
0x195: {  	v0 =	vmul.f32 v4, v23;
	v4 =	vadd.f32 v5, v26;
	v3 =	vsub.f32 v3, v52;
	v5 =	vld [tilespmem:s2+$0x50]  }
0x196: {  	v44 =	vand.u32 $0xFFFFFFFC, v44;
	v2 =	vadd.f32 v2, v26;
	v28 =	vmul.f32 v28, v49  }
0x197: {  	v44 =	vbroadcast v44, $0x0;
	v0 =	vadd.f32 v0, v24;
	[tilespmem:s0+$0xFFFFFFB0] =	vst v4;
	v3 =	vmul.f32 v3, v29  }
0x198: {  	v4 =	vmul.f32 v58, v50;
	v59 =	vld [tilespmem:s2+$0xFFFFFFC0];
	[tilespmem:s0+$0xB0] =	vst v2;
	v2 =	vsub.f32 v28, v39  }
0x199: {  	v6 =	vmul.f32 v6, v48;
	[tilespmem:s0+$0xFFFFFF40] =	vst v0;
	v0 =	vld [tilespmem:s2+$0xC0];
	v3 =	vadd.f32 v3, v32  }
0x19a: {  	v4 =	vsub.f32 v4, v38;
	v28 =	vld [tilespmem:s2+$0xFFFFFF50];
	v2 =	vmul.f32 v2, v29;
	v5 =	vmul.f32 v5, v47  }
0x19b: {  	v6 =	vsub.f32 v6, v41;
	[tilespmem:s16+$0x10] =	vst v3  }
0x19c: {  	s3 =	simm.s32 $0x1B;
	v3 =	vmul.f32 v4, v29;
	v2 =	vadd.f32 v2, v32;
	v4 =	vld [tilespmem:s5+$0x20];
	v5 =	vsub.f32 v5, v46  }
0x19d: {  	v42 =	vmov s3;
	v55 =	vld.idx.msk [tilespmem:v44+s30+$0x0], $0xffff;
	v6 =	vmul.f32 v6, v29;
	v40 =	vmul.f32 v59, v62  }
0x19e: {  	v3 =	vadd.f32 v3, v32;
	v0 =	vmul.f32 v0, v34;
	[tilespmem:s16+$0xFFFFFF10] =	vst v2;
	v2 =	vmul.f32 v5, v21  }
0x19f: {  	v5 =	vadd.f32 v6, v32;
	v6 =	vmul.f32 v28, v37;
	v28 =	vsub.f32 v40, v43;
	v45 =	vld [tilespmem:s5+$0xFFFFFF20]  }
0x1a0: {  	v44 =	vld.idx.msk [tilespmem:v44+s29+$0x0], $0xffff;
	v0 =	vsub.f32 v0, v35;
	v2 =	vadd.f32 v2, v22  }
0x1a1: {  	s19 =	simm.s32 $0x19;
	[tilespmem:s16+$0xFFFFFF90] =	vst v3;
	v3 =	vsub.f32 v6, v36;
	v6 =	vmul.f32 v28, v23;
	v4 =	vmul.f32 v4, v51  }
0x1a2: {  	v28 =	vmov s19;
	v53 =	vld [tilespmem:s5+$0xFFFFFFA0];
	v0 =	vmul.f32 v0, v23;
	[tilespmem:s0+$0x50] =	vst v2  }
0x1a3: {  	[tilespmem:s16+$0x90] =	vst v5;
	v2 =	vmul.f32 v3, v21;
	v3 =	vadd.f32 v6, v24;
	v4 =	vsub.f32 v4, v52;
	v5 =	vld [tilespmem:s2+$0x60]  }
0x1a4: {  	v40 =	vld.idx.msk [tilespmem:v42+s30+$0x0], $0xffff;
	v6 =	vand.u32 $0xFFFFFFFD, v28;
	v0 =	vadd.f32 v0, v24;
	v45 =	vmul.f32 v45, v49  }
0x1a5: {  	v28 =	vld [tilespmem:s5+$0xA0];
	v6 =	vbroadcast v6, $0x0;
	v2 =	vadd.f32 v2, v22;
	[tilespmem:s0+$0xFFFFFFC0] =	vst v3;
	v3 =	vmul.f32 v4, v27  }
0x1a6: {  	s23 =	simm.s32 $0x1A;
	v4 =	vld [tilespmem:s2+$0xFFFFFFD0];
	[tilespmem:s0+$0xC0] =	vst v0;
	v0 =	vsub.f32 v45, v39  }
0x1a7: {  	v61 =	vmov s23;
	v60 =	vmul.f32 v53, v50;
	[tilespmem:s0+$0xFFFFFF50] =	vst v2;
	v2 =	vld [tilespmem:s2+$0xD0];
	v3 =	vadd.f32 v3, v30  }
0x1a8: {  	v53 =	vand.u32 $0xFFFFFFFE, v61;
	v54 =	vld [tilespmem:s2+$0xFFFFFF60];
	v0 =	vmul.f32 v0, v27;
	v5 =	vmul.f32 v5, v47  }
0x1a9: {  	v42 =	vld.idx.msk [tilespmem:v42+s29+$0x0], $0xffff;
	v57 =	vbroadcast v53, $0x0;
	v56 =	vsub.f32 v60, v38;
	[tilespmem:s16+$0x20] =	vst v3  }
0x1aa: {  	v28 =	vmul.f32 v28, v48;
	v0 =	vadd.f32 v0, v30;
	v3 =	vld [tilespmem:s5+$0x30];
	v5 =	vsub.f32 v5, v46  }
0x1ab: {  	v45 =	vld.idx.msk [tilespmem:v6+s30+$0x0], $0xffff;
	v56 =	vmul.f32 v56, v27  }
0x1ac: {  	v28 =	vsub.f32 v28, v41;
	v4 =	vmul.f32 v4, v62;
	[tilespmem:s16+$0xFFFFFF20] =	vst v0;
	v0 =	vmul.f32 v5, v19  }
0x1ad: {  	v2 =	vmul.f32 v2, v34;
	v5 =	vmul.f32 v54, v37;
	v58 =	vld [tilespmem:s5+$0xFFFFFF30]  }
0x1ae: {  	p2 =	por $0x1, $0x1;
	v63 =	vmul.f32 v28, v27;
	v28 =	vld.idx.msk [tilespmem:v6+s29+$0x0], $0xffff;
	v4 =	vsub.f32 v4, v43;
	v0 =	vadd.f32 v0, v20  }
.Ltmp4:
0x1af: {  	s3 =	simm.s32 $0x8700;
	v53 =	vld.idx.msk [tilespmem:v57+s29+$0x0], $0xffff;
	v2 =	vsub.f32 v2, v35;
	v5 =	vsub.f32 v5, v36;
	v3 =	vmul.f32 v3, v51;
	(pc) =	sbr.rel @!p2 .LBB2_10-.Ltmp4, $4  }
0x1b0: {  	v6 =	vadd.f32 v56, v30;
	v56 =	vadd.f32 v63, v30;
	v63 =	vld [tilespmem:s3+$0x0];
	[tilespmem:s0+$0x60] =	vst v0;
	v0 =	vmul.f32 v4, v21  }
0x1b1: {  	v54 =	vld.idx.msk [tilespmem:v57+s30+$0x0], $0xffff;
	v2 =	vmul.f32 v2, v21;
	v5 =	vmul.f32 v5, v19;
	v3 =	vsub.f32 v3, v52  }
0x1b2: {  	p1 =	por $0x1, $0x1;
	[tilespmem:s16+$0xFFFFFFA0] =	vst v6;
	v61 =	vmul.f32 v58, v49;
	v58 =	vld [tilespmem:s2+$0x70];
	v60 =	vadd.f32 v0, v22  }
0x1b3: {  	s15 =	simm.s32 $0x300;
	s17 =	simm.s32 $0x500;
	s18 =	simm.s32 $0x8;
	[tilespmem:s16+$0xA0] =	vst v56;
	v59 =	vadd.f32 v2, v22;
	v0 =	vld [tilespmem:s3+$0xFFFFFF00];
	v57 =	vadd.f32 v5, v20;
	v4 =	vmul.f32 v3, v25  }
.LBB2_11:
0x1b4: {  	s19 =	sadd.s32 $0x17, s18;
	v5 =	vld [tilespmem:s3+$0xFFFFFF80];
	v6 =	vsub.f32 v61, v39;
	[tilespmem:s15+$0xFFFFFFD0] =	vst v60;
	v2 =	vmovc v62;
	v62 =	vmov v50;
	v50 =	vmov v28  }
0x1b5: {  	s23 =	sadd.s32 $0x14, s18;
	s1 =	sadd.s32 $0x15, s18;
	v3 =	vmov s19;
	v28 =	vmul.f32 v63, v53;
	v56 =	vld [tilespmem:s3+$0x80];
	v4 =	vadd.f32 v4, v26;
	[tilespmem:s15+$0xD0] =	vst v59  }
0x1b6: {  	v59 =	vmov s23;
	v60 =	vmov s1;
	v6 =	vmul.f32 v6, v25;
	v61 =	vld [tilespmem:s5+$0xFFFFFFB0];
	[tilespmem:s15+$0xFFFFFF60] =	vst v57  }
0x1b7: {  	v57 =	vand.u32 $0xFFFFFFFC, v59;
	v28 =	vsub.f32 v28, v54;
	[tilespmem:s16+$0x30] =	vst v4;
	v4 =	vld [tilespmem:s5+$0xB0];
	v58 =	vmul.f32 v58, v47;
	v47 =	vmovc v51  }
0x1b8: {  	v59 =	vand.u32 $0xFFFFFFFD, v60;
	v51 =	vmovc v53;
	v0 =	vmul.f32 v0, v44;
	v6 =	vadd.f32 v6, v26;
	v60 =	vld [tilespmem:s5+$0x40]  }
0x1b9: {  	v5 =	vmul.f32 v5, v50;
	v28 =	vmul.f32 v28, v31;
	v63 =	vld [tilespmem:s2+$0xFFFFFFE0];
	v58 =	vsub.f32 v58, v46;
	v46 =	vmovc v52  }
0x1ba: {  	v53 =	vbroadcast v57, $0x0;
	v52 =	vmovc v54;
	v0 =	vsub.f32 v0, v55;
	v56 =	vmul.f32 v56, v42;
	[tilespmem:s16+$0xFFFFFF30] =	vst v6;
	v6 =	vld [tilespmem:s2+$0xE0]  }
0x1bb: {  	v5 =	vsub.f32 v5, v45;
	v28 =	vadd.f32 v28, v33;
	v54 =	vld [tilespmem:s5+$0xFFFFFF40];
	v57 =	vmul.f32 v58, v17  }
0x1bc: {  	s16 =	sadd.s32 $0x200, s16;
	v58 =	vmul.f32 v61, v62;
	v0 =	vmul.f32 v0, v31;
	v56 =	vsub.f32 v56, v40;
	v61 =	vld [tilespmem:s2+$0xFFFFFF70]  }
0x1bd: {  	v5 =	vmul.f32 v5, v31;
	[tilespmem:s16+$0x0] =	vst v28;
	v28 =	vmul.f32 v60, v47;
	v57 =	vadd.f32 v57, v18  }
0x1be: {  	v4 =	vmul.f32 v4, v48;
	v0 =	vadd.f32 v0, v33;
	v60 =	vld [tilespmem:s3+$0x10];
	v56 =	vmul.f32 v56, v31  }
0x1bf: {  	v63 =	vmul.f32 v63, v2;
	v5 =	vadd.f32 v5, v33;
	v28 =	vsub.f32 v28, v46;
	[tilespmem:s15+$0x70] =	vst v57  }
0x1c0: {  	[tilespmem:s16+$0xFFFFFF00] =	vst v0;
	v0 =	vadd.f32 v56, v33;
	v54 =	vmul.f32 v54, v49;
	v56 =	vsub.f32 v58, v38  }
0x1c1: {  	v4 =	vsub.f32 v4, v41;
	v6 =	vmul.f32 v6, v34;
	v57 =	vld [tilespmem:s3+$0xFFFFFF10];
	[tilespmem:s16+$0xFFFFFF80] =	vst v5;
	v5 =	vmul.f32 v28, v23  }
0x1c2: {  	v28 =	vld [tilespmem:s3+$0xFFFFFF90];
	[tilespmem:s16+$0x80] =	vst v0;
	v0 =	vsub.f32 v54, v39;
	v54 =	vmul.f32 v56, v25;
	v56 =	vsub.f32 v63, v43  }
0x1c3: {  	v4 =	vmul.f32 v4, v25;
	v58 =	vmul.f32 v60, v51;
	v60 =	vld [tilespmem:s3+$0x90];
	v5 =	vadd.f32 v5, v24  }
0x1c4: {  	v6 =	vsub.f32 v6, v35;
	v63 =	vld.idx.msk [tilespmem:v3+s30+$0x0], $0xffff;
	v0 =	vmul.f32 v0, v23;
	v54 =	vadd.f32 v54, v26  }
0x1c5: {  	v4 =	vadd.f32 v4, v26;
	v58 =	vsub.f32 v58, v52;
	[tilespmem:s17+$0x40] =	vst v5;
	v5 =	vmul.f32 v56, v19  }
0x1c6: {  	v6 =	vmul.f32 v6, v19;
	v56 =	vmul.f32 v57, v44;
	v0 =	vadd.f32 v0, v24;
	[tilespmem:s17+$0xFFFFFFB0] =	vst v54;
	v54 =	vld [tilespmem:s5+$0x50]  }
0x1c7: {  	v28 =	vmul.f32 v28, v50;
	v57 =	vmul.f32 v58, v29;
	v58 =	vld [tilespmem:s5+$0xFFFFFFC0];
	[tilespmem:s17+$0xB0] =	vst v4;
	v4 =	vadd.f32 v5, v20  }
0x1c8: {  	v6 =	vadd.f32 v6, v20;
	v5 =	vsub.f32 v56, v55;
	v56 =	vmul.f32 v60, v42;
	[tilespmem:s17+$0xFFFFFF40] =	vst v0;
	v0 =	vld [tilespmem:s5+$0xC0]  }
0x1c9: {  	v61 =	vmul.f32 v61, v37;
	v28 =	vsub.f32 v28, v45;
	v57 =	vadd.f32 v57, v32;
	v60 =	vld [tilespmem:s5+$0xFFFFFF50];
	[tilespmem:s15+$0xFFFFFFE0] =	vst v4  }
0x1ca: {  	v37 =	vmovc v49;
	v4 =	vbroadcast v59, $0x0;
	v5 =	vmul.f32 v5, v29;
	v56 =	vsub.f32 v56, v40;
	v59 =	vld [tilespmem:s2+$0xFFFFFFF0];
	[tilespmem:s15+$0xE0] =	vst v6  }
0x1cb: {  	v49 =	vsub.f32 v61, v36;
	v6 =	vmul.f32 v28, v29;
	[tilespmem:s16+$0x10] =	vst v57;
	v28 =	vmul.f32 v54, v47;
	v54 =	vld [tilespmem:s2+$0xF0];
	s2 =	smov.u32 s5;
	s5 =	smov.u32 s3  }
0x1cc: {  	v36 =	vmovc v39;
	v5 =	vadd.f32 v5, v32;
	v57 =	vld [tilespmem:s3+$0x20];
	v56 =	vmul.f32 v56, v29;
	v58 =	vmul.f32 v58, v62  }
0x1cd: {  	v3 =	vld.idx.msk [tilespmem:v3+s29+$0x0], $0xffff;
	v6 =	vadd.f32 v6, v32;
	v28 =	vsub.f32 v28, v46;
	v0 =	vmul.f32 v0, v48  }
0x1ce: {  	[tilespmem:s16+$0xFFFFFF10] =	vst v5;
	v5 =	vadd.f32 v56, v32;
	v39 =	vmul.f32 v60, v37;
	v56 =	vsub.f32 v58, v38  }
0x1cf: {  	v58 =	vld [tilespmem:s3+$0xFFFFFF20];
	[tilespmem:s16+$0xFFFFFF90] =	vst v6;
	v6 =	vmul.f32 v28, v21;
	v0 =	vsub.f32 v0, v41;
	v2 =	vmul.f32 v59, v2  }
0x1d0: {  	[tilespmem:s16+$0x90] =	vst v5;
	v5 =	vsub.f32 v39, v36;
	v39 =	vmul.f32 v56, v23;
	v54 =	vmul.f32 v54, v34  }
0x1d1: {  	v28 =	vld [tilespmem:s3+$0xFFFFFFA0];
	v56 =	vmul.f32 v57, v51;
	v6 =	vadd.f32 v6, v22;
	v0 =	vmul.f32 v0, v23  }
0x1d2: {  	v34 =	vmov v48;
	v57 =	vld [tilespmem:s3+$0xA0];
	v2 =	vsub.f32 v2, v43;
	v39 =	vadd.f32 v39, v24  }
0x1d3: {  	v59 =	vld.idx.msk [tilespmem:v53+s30+$0x0], $0xffff;
	v5 =	vmul.f32 v5, v21;
	v43 =	vsub.f32 v56, v52;
	v0 =	vadd.f32 v0, v24  }
0x1d4: {  	s1 =	sadd.s32 $0x16, s18;
	[tilespmem:s17+$0x50] =	vst v6;
	v6 =	vmul.f32 v49, v17;
	v49 =	vsub.f32 v54, v35;
	v2 =	vmul.f32 v2, v17  }
0x1d5: {  	v54 =	vmov s1;
	v35 =	vmovc v41;
	v48 =	vmul.f32 v58, v44;
	v5 =	vadd.f32 v5, v22;
	[tilespmem:s17+$0xFFFFFFC0] =	vst v39;
	v39 =	vld [tilespmem:s2+$0x60]  }
0x1d6: {  	v28 =	vmul.f32 v28, v50;
	v7 =	vmul.f32 v43, v27;
	v43 =	vld [tilespmem:s2+$0xFFFFFFD0];
	[tilespmem:s17+$0xC0] =	vst v0;
	v0 =	vadd.f32 v6, v18  }
0x1d7: {  	s18 =	sadd.s32 $0x4, s18;
	v2 =	vadd.f32 v2, v18;
	v6 =	vsub.f32 v48, v55;
	v48 =	vmul.f32 v57, v42;
	[tilespmem:s17+$0xFFFFFF50] =	vst v5;
	v5 =	vld [tilespmem:s2+$0xD0]  }
0x1d8: {  	p2 =	slt.u32 s18, $0xFC;
	v41 =	vmovc v40;
	v28 =	vsub.f32 v28, v45;
	v56 =	vadd.f32 v7, v30;
	v57 =	vld [tilespmem:s2+$0xFFFFFF60];
	[tilespmem:s15+$0xFFFFFF70] =	vst v0;
	v0 =	vand.u32 $0xFFFFFFFE, v54  }
0x1d9: {  	v40 =	vmovc v63;
	v7 =	vld.idx.msk [tilespmem:v4+s30+$0x0], $0xffff;
	v6 =	vmul.f32 v6, v27;
	v58 =	vsub.f32 v48, v41;
	v0 =	vbroadcast v0, $0x0  }
0x1da: {  	v8 =	vld.idx.msk [tilespmem:v53+s29+$0x0], $0xffff;
	[tilespmem:s16+$0x20] =	vst v56;
	v39 =	vmul.f32 v39, v47;
	v28 =	vmul.f32 v28, v27  }
0x1db: {  	v6 =	vadd.f32 v6, v30;
	v54 =	vld [tilespmem:s3+$0x30];
	v53 =	vmul.f32 v58, v27;
	v48 =	vmovc v42;
	v60 =	vmul.f32 v43, v62  }
0x1dc: {  	v61 =	vsub.f32 v39, v46;
	v5 =	vmul.f32 v5, v34;
	[tilespmem:s15+$0xFFFFFFF0] =	vst v2;
	v2 =	vadd.f32 v28, v30  }
0x1dd: {  	[tilespmem:s16+$0xFFFFFF20] =	vst v6;
	v6 =	vadd.f32 v53, v30;
	v43 =	vmul.f32 v57, v37;
	v57 =	vsub.f32 v60, v38  }
0x1de: {  	v42 =	vmovc v3;
	v3 =	vmul.f32 v49, v17;
	v56 =	vld [tilespmem:s3+$0xFFFFFF30];
	v58 =	vmul.f32 v61, v19;
	v5 =	vsub.f32 v5, v35  }
0x1df: {  	v39 =	vmov v55;
	v28 =	vld.idx.msk [tilespmem:v4+s29+$0x0], $0xffff;
	[tilespmem:s16+$0xFFFFFFA0] =	vst v2;
	v2 =	vsub.f32 v43, v36;
	v49 =	vmul.f32 v57, v21  }
.Ltmp5:
0x1e0: {  	s3 =	sadd.s32 $0x200, s3;
	v55 =	vmov v59;
	v53 =	vld.idx.msk [tilespmem:v0+s29+$0x0], $0xffff;
	v4 =	vmul.f32 v54, v51;
	[tilespmem:s16+$0xA0] =	vst v6;
	v6 =	vadd.f32 v58, v20;
	(pc) =	sbr.rel @p2 .LBB2_11-.Ltmp5, $4  }
0x1e1: {  	v3 =	vadd.f32 v3, v18;
	v5 =	vmul.f32 v5, v21;
	v63 =	vld [tilespmem:s3+$0x0];
	v43 =	vmov v38  }
0x1e2: {  	v2 =	vmul.f32 v2, v19;
	v38 =	vmov v45;
	v54 =	vld.idx.msk [tilespmem:v0+s30+$0x0], $0xffff;
	v4 =	vsub.f32 v4, v52;
	[tilespmem:s17+$0x60] =	vst v6  }
0x1e3: {  	v60 =	vadd.f32 v49, v22;
	v59 =	vadd.f32 v5, v22;
	v61 =	vmul.f32 v56, v44;
	v58 =	vld [tilespmem:s2+$0x70];
	[tilespmem:s15+$0xF0] =	vst v3;
	s15 =	smov.u32 s17;
	s17 =	smov.u32 s16  }
0x1e4: {  	v45 =	vmovc v7;
	v57 =	vadd.f32 v2, v20;
	v49 =	vmovc v44;
	v44 =	vmov v8;
	v0 =	vld [tilespmem:s3+$0xFFFFFF00];
	v4 =	vmul.f32 v4, v25  }
0x1e5: {  	v56 =	vmovc v39;
	v6 =	vmov v62;
	v3 =	vmov v47;
	v2 =	vmov v46  }
0x1e6: {  	v5 =	vmovc v50;
	v62 =	vmovc v28;
	v47 =	vmov v51;
	v46 =	vmov v52;
	v39 =	vmov v55  }
.LBB2_13:
0x1e7: {  	v7 =	vld [tilespmem:s3+$0xFFFFFF80]  }
0x1e8: {  	v8 =	vld [tilespmem:s3+$0x80];
	v28 =	vmul.f32 v63, v53;
	_ =	sdelay $0x1  }
0x1e9: {  	v0 =	vmul.f32 v0, v44;
	v28 =	vsub.f32 v28, v54;
	_ =	sdelay $0x1  }
0x1ea: {  	v0 =	vsub.f32 v0, v39;
	v28 =	vmul.f32 v28, v31;
	v7 =	vmul.f32 v7, v62  }
0x1eb: {  	v8 =	vmul.f32 v8, v42  }
0x1ec: {  	s1 =	sadd.s32 @p0 $0x200, s16;
	v0 =	vmul.f32 v0, v31;
	v28 =	vadd.f32 v28, v33;
	v7 =	vsub.f32 v7, v45  }
0x1ed: {  	s0 =	smov.u32 @p0 s1;
	v8 =	vsub.f32 v8, v40  }
0x1ee: {  	v0 =	vadd.f32 v0, v33;
	[tilespmem:s0+$0x0] =	vst v28;
	v7 =	vmul.f32 v7, v31  }
0x1ef: {  	v8 =	vmul.f32 v8, v31;
	v28 =	vld [tilespmem:s3+$0x10]  }
0x1f0: {  	[tilespmem:s0+$0xFFFFFF00] =	vst v0;
	v7 =	vadd.f32 v7, v33  }
0x1f1: {  	v0 =	vadd.f32 v8, v33;
	v8 =	vld [tilespmem:s3+$0xFFFFFF10]  }
0x1f2: {  	[tilespmem:s0+$0xFFFFFF80] =	vst v7  }
0x1f3: {  	[tilespmem:s0+$0x80] =	vst v0;
	v7 =	vld [tilespmem:s3+$0xFFFFFF90]  }
0x1f4: {  	v0 =	vld [tilespmem:s3+$0x90];
	v28 =	vmul.f32 v28, v53;
	_ =	sdelay $0x1  }
0x1f5: {  	v8 =	vmul.f32 v8, v44;
	v28 =	vsub.f32 v28, v54;
	_ =	sdelay $0x1  }
0x1f6: {  	v8 =	vsub.f32 v8, v39;
	v28 =	vmul.f32 v28, v29;
	v7 =	vmul.f32 v7, v62  }
0x1f7: {  	v0 =	vmul.f32 v0, v42  }
0x1f8: {  	v8 =	vmul.f32 v8, v29;
	v28 =	vadd.f32 v28, v32;
	v7 =	vsub.f32 v7, v45  }
0x1f9: {  	v0 =	vsub.f32 v0, v40  }
0x1fa: {  	v8 =	vadd.f32 v8, v32;
	[tilespmem:s0+$0x10] =	vst v28;
	v7 =	vmul.f32 v7, v29  }
0x1fb: {  	v0 =	vmul.f32 v0, v29;
	v28 =	vld [tilespmem:s3+$0x20]  }
0x1fc: {  	[tilespmem:s0+$0xFFFFFF10] =	vst v8;
	v7 =	vadd.f32 v7, v32  }
0x1fd: {  	v0 =	vadd.f32 v0, v32;
	v8 =	vld [tilespmem:s3+$0xFFFFFF20]  }
0x1fe: {  	[tilespmem:s0+$0xFFFFFF90] =	vst v7  }
0x1ff: {  	[tilespmem:s0+$0x90] =	vst v0;
	v7 =	vld [tilespmem:s3+$0xFFFFFFA0]  }
0x200: {  	v0 =	vld [tilespmem:s3+$0xA0];
	v28 =	vmul.f32 v28, v53;
	_ =	sdelay $0x1  }
0x201: {  	v4 =	vadd.f32 @p0 v4, v26;
	v8 =	vmul.f32 v8, v44;
	v28 =	vsub.f32 v28, v54;
	_ =	sdelay $0x1  }
0x202: {  	[tilespmem:s16+$0x30] =	vst @p0 v4;
	v50 =	vsub.f32 v8, v39;
	v28 =	vmul.f32 v28, v27;
	v7 =	vmul.f32 v7, v62  }
0x203: {  	v8 =	vld @p0 [tilespmem:s5+$0x40];
	v0 =	vmul.f32 v0, v42  }
0x204: {  	v32 =	vld @p0 [tilespmem:s5+$0xB0];
	v4 =	vmul.f32 v50, v27;
	v28 =	vadd.f32 v28, v30;
	v7 =	vsub.f32 v7, v45  }
0x205: {  	v31 =	vld @p0 [tilespmem:s5+$0xFFFFFFB0];
	v0 =	vsub.f32 v0, v40  }
0x206: {  	v4 =	vadd.f32 v4, v30;
	[tilespmem:s0+$0x20] =	vst v28;
	v7 =	vmul.f32 v7, v27  }
0x207: {  	v29 =	vmov @p0 v47;
	v28 =	vsub.f32 @p0 v61, v56;
	v0 =	vmul.f32 v0, v27;
	v51 =	vld [tilespmem:s3+$0x30]  }
0x208: {  	v8 =	vmul.f32 @p0 v8, v29;
	v27 =	vmov @p0 v46;
	[tilespmem:s0+$0xFFFFFF20] =	vst v4;
	v7 =	vadd.f32 v7, v30  }
0x209: {  	v0 =	vadd.f32 v0, v30;
	v30 =	vmovc @p0 v5;
	v5 =	vmul.f32 @p0 v28, v25;
	v28 =	vmul.f32 @p0 v32, v48  }
0x20a: {  	v4 =	vld [tilespmem:s3+$0xFFFFFF30];
	v8 =	vsub.f32 @p0 v8, v27;
	[tilespmem:s0+$0xFFFFFFA0] =	vst v7;
	v7 =	vmul.f32 @p0 v31, v30  }
0x20b: {  	[tilespmem:s0+$0xA0] =	vst v0;
	v5 =	vadd.f32 @p0 v5, v26;
	v28 =	vsub.f32 @p0 v28, v41;
	v0 =	vld [tilespmem:s3+$0xFFFFFFB0]  }
0x20c: {  	v8 =	vmul.f32 @p0 v8, v23;
	v55 =	vmul.f32 v51, v53;
	v7 =	vsub.f32 @p0 v7, v38  }
0x20d: {  	v52 =	vld [tilespmem:s3+$0xB0];
	[tilespmem:s16+$0xFFFFFF30] =	vst @p0 v5;
	v28 =	vmul.f32 @p0 v28, v25  }
0x20e: {  	v32 =	vsub.f32 v55, v54;
	v5 =	vmul.f32 @p0 v7, v25;
	v7 =	vadd.f32 @p0 v8, v24;
	v8 =	vld @p0 [tilespmem:s5+$0xFFFFFF40]  }
0x20f: {  	[tilespmem:s15+$0xFFFFFFD0] =	vst @p1 v60;
	v4 =	vmul.f32 v4, v44  }
0x210: {  	v61 =	vmul.f32 v32, v25;
	v0 =	vmul.f32 v0, v62;
	[tilespmem:s17+$0x40] =	vst @p0 v7;
	v7 =	vadd.f32 @p0 v28, v26  }
0x211: {  	[tilespmem:s15+$0xD0] =	vst @p1 v59;
	v3 =	vmul.f32 @p1 v58, v3;
	v33 =	vld @p1 [tilespmem:s2+$0xFFFFFFE0];
	v4 =	vsub.f32 v4, v39;
	v5 =	vadd.f32 @p0 v5, v26  }
0x212: {  	v46 =	vld @p1 [tilespmem:s2+$0xE0];
	v31 =	vmul.f32 v52, v42;
	v63 =	vadd.f32 v61, v26;
	v0 =	vsub.f32 v0, v45;
	[tilespmem:s17+$0xB0] =	vst @p0 v7  }
0x213: {  	v4 =	vmul.f32 v4, v25;
	[tilespmem:s17+$0xFFFFFFB0] =	vst @p0 v5;
	v8 =	vmul.f32 @p0 v8, v49;
	v28 =	vld @p0 [tilespmem:s5+$0xC0]  }
0x214: {  	v2 =	vsub.f32 @p1 v3, v2;
	v31 =	vsub.f32 v31, v40;
	v32 =	vld @p0 [tilespmem:s5+$0xFFFFFFC0];
	[tilespmem:s0+$0x30] =	vst v63;
	v0 =	vmul.f32 v0, v25  }
0x215: {  	v4 =	vadd.f32 v4, v26;
	v7 =	vsub.f32 @p0 v8, v56;
	v8 =	vld [tilespmem:s3+$0x40]  }
0x216: {  	v3 =	vmul.f32 @p1 v33, v6;
	v5 =	vld @p0 [tilespmem:s5+$0x50];
	v31 =	vmul.f32 v31, v25;
	v0 =	vadd.f32 v0, v26  }
0x217: {  	v25 =	vmul.f32 @p1 v2, v17;
	[tilespmem:s0+$0xFFFFFF30] =	vst v4;
	v4 =	vmul.f32 @p1 v46, v34  }
0x218: {  	v33 =	vadd.f32 v31, v26;
	v47 =	vld [tilespmem:s3+$0xFFFFFF40];
	[tilespmem:s0+$0xFFFFFFB0] =	vst v0;
	v0 =	vsub.f32 @p1 v3, v43;
	v28 =	vmul.f32 @p0 v28, v48  }
0x219: {  	v3 =	vmul.f32 @p0 v7, v23;
	v7 =	vmul.f32 @p0 v32, v30;
	v50 =	vld [tilespmem:s3+$0xFFFFFFC0]  }
0x21a: {  	[tilespmem:s0+$0xB0] =	vst v33;
	v0 =	vmul.f32 @p1 v0, v19;
	v28 =	vsub.f32 @p0 v28, v41;
	v8 =	vmul.f32 v8, v53  }
0x21b: {  	v2 =	vmul.f32 @p0 v5, v29;
	v51 =	vld [tilespmem:s3+$0xC0];
	v3 =	vadd.f32 @p0 v3, v24;
	v7 =	vsub.f32 @p0 v7, v38  }
0x21c: {  	v0 =	vadd.f32 @p1 v0, v20;
	v28 =	vmul.f32 @p0 v28, v23;
	v8 =	vsub.f32 v8, v54  }
0x21d: {  	v2 =	vsub.f32 @p0 v2, v27;
	v5 =	vmul.f32 v47, v44;
	[tilespmem:s17+$0xFFFFFF40] =	vst @p0 v3;
	v3 =	vmul.f32 @p0 v7, v23  }
0x21e: {  	v26 =	vmul.f32 v50, v62;
	[tilespmem:s15+$0xFFFFFFE0] =	vst @p1 v0;
	v0 =	vadd.f32 @p0 v28, v24;
	v8 =	vmul.f32 v8, v23  }
0x21f: {  	[tilespmem:s15+$0xFFFFFF60] =	vst @p1 v57;
	v2 =	vmul.f32 @p0 v2, v21;
	v7 =	vld @p0 [tilespmem:s5+$0xFFFFFF50];
	v5 =	vsub.f32 v5, v39;
	v3 =	vadd.f32 @p0 v3, v24  }
0x220: {  	v31 =	vmul.f32 v51, v42;
	v26 =	vsub.f32 v26, v45;
	[tilespmem:s17+$0xC0] =	vst @p0 v0;
	v0 =	vadd.f32 v8, v24  }
0x221: {  	v32 =	vld @p1 [tilespmem:s2+$0xFFFFFF70];
	[tilespmem:s17+$0xFFFFFFC0] =	vst @p0 v3;
	v3 =	vmul.f32 v5, v23  }
0x222: {  	v4 =	vsub.f32 @p1 v4, v35;
	v52 =	vsub.f32 v31, v40;
	v31 =	vld @p0 [tilespmem:s5+$0xFFFFFFD0];
	v8 =	vmul.f32 v26, v23;
	[tilespmem:s0+$0x40] =	vst v0  }
0x223: {  	v33 =	vadd.f32 @p0 v2, v22;
	v2 =	vmov @p0 v49;
	v55 =	vadd.f32 v3, v24;
	v57 =	vld [tilespmem:s3+$0x50]  }
0x224: {  	v7 =	vmul.f32 @p0 v7, v2;
	v26 =	vld @p0 [tilespmem:s5+$0xD0];
	v5 =	vmul.f32 v52, v23;
	v8 =	vadd.f32 v8, v24  }
0x225: {  	v28 =	vld @p1 [tilespmem:s2+$0xFFFFFFF0];
	v3 =	vmov @p0 v56;
	[tilespmem:s0+$0xFFFFFF40] =	vst v55  }
0x226: {  	v4 =	vmul.f32 @p1 v4, v19;
	v5 =	vadd.f32 v5, v24;
	v7 =	vsub.f32 @p0 v7, v3;
	v58 =	vld [tilespmem:s3+$0xFFFFFF50]  }
0x227: {  	v24 =	vmul.f32 @p1 v32, v37;
	[tilespmem:s0+$0xFFFFFFC0] =	vst v8;
	v31 =	vmul.f32 @p0 v31, v30  }
0x228: {  	[tilespmem:s0+$0xC0] =	vst v5;
	v7 =	vmul.f32 @p0 v7, v21;
	v59 =	vld [tilespmem:s3+$0xFFFFFFD0];
	v8 =	vmov @p0 v48;
	v61 =	vmul.f32 v57, v53  }
0x229: {  	[tilespmem:s17+$0x50] =	vst @p0 v33;
	v5 =	vsub.f32 @p1 v24, v36;
	v60 =	vld [tilespmem:s3+$0xD0];
	v31 =	vsub.f32 @p0 v31, v38;
	v24 =	vmul.f32 @p0 v26, v8  }
0x22a: {  	v6 =	vmul.f32 @p1 v28, v6;
	v28 =	vmovc @p0 v41;
	v7 =	vadd.f32 @p0 v7, v22;
	v33 =	vsub.f32 v61, v54  }
0x22b: {  	v0 =	vadd.f32 @p1 v25, v18;
	v25 =	vmul.f32 v58, v44;
	v24 =	vsub.f32 @p0 v24, v28  }
0x22c: {  	v4 =	vadd.f32 @p1 v4, v20;
	v23 =	vld @p0 [tilespmem:s5+$0x60];
	[tilespmem:s17+$0xFFFFFF50] =	vst @p0 v7;
	v7 =	vmul.f32 @p0 v31, v21;
	v33 =	vmul.f32 v33, v21  }
0x22d: {  	v32 =	vmul.f32 v59, v62;
	v63 =	vsub.f32 v25, v39;
	v24 =	vmul.f32 @p0 v24, v21  }
0x22e: {  	[tilespmem:s15+$0xE0] =	vst @p1 v4;
	v31 =	vld @p0 [tilespmem:s5+$0xFFFFFF60];
	v36 =	vmul.f32 v60, v42;
	v4 =	vadd.f32 @p0 v7, v22;
	v37 =	vadd.f32 v33, v22  }
0x22f: {  	s1 =	smov.u32 @p0 s17;
	v26 =	vld @p1 [tilespmem:s2+$0xF0];
	v32 =	vsub.f32 v32, v45;
	v24 =	vadd.f32 @p0 v24, v22  }
0x230: {  	s2 =	smov.u32 @p0 s1;
	v7 =	vmul.f32 v63, v21;
	v25 =	vsub.f32 v36, v40;
	v4 =	vpsel p0, v4, v0;
	[tilespmem:s0+$0x50] =	vst v37  }
0x231: {  	s16 =	smov.u32 @p0 s5;
	v23 =	vmul.f32 @p0 v23, v29;
	[tilespmem:s2+$0xFFFFFFD0] =	vst @p0 v4;
	v32 =	vmul.f32 v32, v21;
	v24 =	vpsel p0, v24, v0;
	v46 =	vld [tilespmem:s3+$0x60]  }
0x232: {  	v6 =	vsub.f32 @p1 v6, v43;
	v7 =	vadd.f32 v7, v22;
	v41 =	vmul.f32 v25, v21;
	[tilespmem:s2+$0xD0] =	vst @p0 v24;
	v24 =	vld @p0 [tilespmem:s16+$0xFFFFFFE0]  }
0x233: {  	v23 =	vsub.f32 @p0 v23, v27;
	v31 =	vmul.f32 @p0 v31, v2;
	v43 =	vadd.f32 v32, v22;
	v25 =	vld @p0 [tilespmem:s16+$0xE0]  }
0x234: {  	v26 =	vmul.f32 @p1 v26, v34;
	[tilespmem:s0+$0xFFFFFF50] =	vst v7;
	v47 =	vadd.f32 v41, v22  }
0x235: {  	v29 =	vpsel p0, v29, v0;
	v21 =	vmul.f32 @p0 v23, v19;
	v31 =	vsub.f32 @p0 v31, v3;
	v48 =	vld [tilespmem:s3+$0xFFFFFF60];
	[tilespmem:s0+$0xFFFFFFD0] =	vst v43  }
0x236: {  	v8 =	vpsel p0, v8, v0;
	v4 =	vsub.f32 @p1 v26, v35;
	v22 =	vpsel p0, v30, v0;
	[tilespmem:s0+$0xD0] =	vst v47;
	v49 =	vld [tilespmem:s3+$0xFFFFFFE0]  }
0x237: {  	v21 =	vadd.f32 @p0 v21, v20;
	v30 =	vmovc @p0 v38;
	v26 =	vmul.f32 @p0 v31, v19;
	v50 =	vld [tilespmem:s3+$0xE0];
	v24 =	vmul.f32 @p0 v24, v22  }
0x238: {  	v30 =	vpsel p0, v30, v0;
	v32 =	vmul.f32 v46, v53;
	v25 =	vmul.f32 @p0 v25, v8  }
0x239: {  	v28 =	vpsel p0, v28, v0;
	v26 =	vadd.f32 @p0 v26, v20;
	v24 =	vsub.f32 @p0 v24, v30  }
0x23a: {  	[tilespmem:s17+$0x60] =	vst @p0 v21;
	v23 =	vmul.f32 v48, v44;
	v32 =	vsub.f32 v32, v54;
	v25 =	vsub.f32 @p0 v25, v28  }
0x23b: {  	v21 =	vpsel p0, v26, v0;
	v26 =	vld @p0 [tilespmem:s5+$0x70];
	v7 =	vmul.f32 v49, v62;
	v24 =	vmul.f32 @p0 v24, v19  }
0x23c: {  	[tilespmem:s2+$0xFFFFFF60] =	vst @p0 v21;
	v23 =	vsub.f32 v23, v39;
	v51 =	vmul.f32 v50, v42;
	v21 =	vmul.f32 @p0 v25, v19  }
0x23d: {  	v32 =	vmul.f32 v32, v19;
	v31 =	vld @p0 [tilespmem:s16+$0xFFFFFF70];
	v7 =	vsub.f32 v7, v45;
	v24 =	vadd.f32 @p0 v24, v20  }
0x23e: {  	v23 =	vmul.f32 v23, v19;
	v25 =	vsub.f32 v51, v40;
	v21 =	vadd.f32 @p0 v21, v20  }
0x23f: {  	v5 =	vmul.f32 @p1 v5, v17;
	v52 =	vadd.f32 v32, v20;
	v7 =	vmul.f32 v7, v19;
	[tilespmem:s2+$0xFFFFFFE0] =	vst @p0 v24  }
0x240: {  	v26 =	vpsel p0, v26, v0;
	v55 =	vadd.f32 v23, v20;
	v19 =	vmul.f32 v25, v19;
	v32 =	vld @p0 [tilespmem:s16+$0xFFFFFFF0];
	[tilespmem:s2+$0xE0] =	vst @p0 v21  }
0x241: {  	v2 =	vpsel p0, v2, v0;
	[tilespmem:s0+$0x60] =	vst v52;
	v23 =	vmul.f32 @p0 v26, v29;
	v7 =	vadd.f32 v7, v20;
	v25 =	vld @p0 [tilespmem:s16+$0xF0]  }
0x242: {  	v24 =	vpsel p0, v27, v0;
	v56 =	vld [tilespmem:s3+$0x70];
	v2 =	vmul.f32 @p0 v31, v2;
	[tilespmem:s0+$0xFFFFFF60] =	vst v55;
	v19 =	vadd.f32 v19, v20  }
0x243: {  	v6 =	vmul.f32 @p1 v6, v17;
	v3 =	vpsel p0, v3, v0;
	v20 =	vsub.f32 @p0 v23, v24;
	v21 =	vld [tilespmem:s3+$0xFFFFFF70];
	[tilespmem:s0+$0xFFFFFFE0] =	vst v7  }
0x244: {  	v5 =	vadd.f32 @p1 v5, v18;
	v4 =	vmul.f32 @p1 v4, v17;
	v2 =	vsub.f32 @p0 v2, v3;
	[tilespmem:s0+$0xE0] =	vst v19;
	v3 =	vld [tilespmem:s3+$0xFFFFFFF0]  }
0x245: {  	v6 =	vadd.f32 @p1 v6, v18;
	v7 =	vmul.f32 @p0 v20, v17;
	v57 =	vld [tilespmem:s3+$0xF0];
	v19 =	vmul.f32 @p0 v32, v22  }
0x246: {  	v4 =	vadd.f32 @p1 v4, v18;
	v2 =	vmul.f32 @p0 v2, v17;
	v8 =	vmul.f32 @p0 v25, v8  }
0x247: {  	[tilespmem:s15+$0x70] =	vst @p1 v0;
	v0 =	vadd.f32 @p0 v7, v18;
	v7 =	vsub.f32 @p0 v19, v30;
	v19 =	vmul.f32 v56, v53  }
0x248: {  	[tilespmem:s15+$0xFFFFFF70] =	vst @p1 v5;
	v2 =	vadd.f32 @p0 v2, v18;
	v5 =	vsub.f32 @p0 v8, v28;
	v8 =	vmul.f32 v21, v44  }
0x249: {  	[tilespmem:s15+$0xFFFFFFF0] =	vst @p1 v6;
	v3 =	vmul.f32 v3, v62;
	v6 =	vmul.f32 @p0 v7, v17;
	v58 =	vsub.f32 v19, v54  }
0x24a: {  	[tilespmem:s15+$0xF0] =	vst @p1 v4;
	v4 =	vmul.f32 @p0 v5, v17;
	v59 =	vsub.f32 v8, v39;
	v8 =	vmul.f32 v57, v42  }
0x24b: {  	[tilespmem:s2+$0x70] =	vst @p0 v0;
	v3 =	vsub.f32 v3, v45;
	v0 =	vadd.f32 @p0 v6, v18;
	v60 =	vmul.f32 v58, v17  }
0x24c: {  	[tilespmem:s2+$0xFFFFFF70] =	vst @p0 v2;
	v2 =	vadd.f32 @p0 v4, v18;
	v61 =	vmul.f32 v59, v17;
	v62 =	vsub.f32 v8, v40  }
0x24d: {  	v3 =	vmul.f32 v3, v17;
	[tilespmem:s2+$0xFFFFFFF0] =	vst @p0 v0;
	v0 =	vadd.f32 v60, v18  }
0x24e: {  	[tilespmem:s2+$0xF0] =	vst @p0 v2;
	v2 =	vadd.f32 v61, v18;
	v63 =	vmul.f32 v62, v17  }
0x24f: {  	[tilespmem:s0+$0x70] =	vst v0;
	v0 =	vadd.f32 v3, v18  }
0x250: {  	[tilespmem:s0+$0xFFFFFF70] =	vst v2;
	v2 =	vadd.f32 v63, v18  }
0x251: {  	s4 =	sadd.s32 $0x1, s4;
	[tilespmem:s0+$0xFFFFFFF0] =	vst v0  }
0x252: {  	p0 =	sne.s32 s4, s12;
	[tilespmem:s0+$0xF0] =	vst v2  }
0x253: {  	[hbm4b:s11+s6] =	stream.linear.scatter [tilespmem:s14], [sflag:$0x5], $0x8000, $0x38;
	[tilespmem:$0x18B80] =	vst v63  }
.Ltmp6:
0x254: {  	_ = 	snop;
	(pc) =	sbr.rel @p0 .LBB2_1-.Ltmp6, $4  }
.Ltmp7:
0x255: {  	_ = 	snop;
	(pc) =	sbr.rel @!p0 .LBB2_14-.Ltmp7, $4  }
0x256: {  	_ =	swait.ge [sflag:s31], $0x8000  }
0x257: {  	[sflag:s31] =	ssyncset.done $0x0  }
0x258: {  	[sflag:s31] =	ssyncadd.s32 $0xFFFF8000  }
0x259: {  	_ = 	snop  }
.LBB2_6:
.Ltmp8:
0x25a: {  	_ = 	snop;
	(pc) =	sbr.rel .LBB2_13-.Ltmp8, $3  }
0x25b: {  	_ =	sdelay $0x1  }
0x25c: {  	v39 =	vmov v36;
	v42 =	vmov v34  }
0x25d: {  	v45 =	vmovc v43;
	v40 =	vmovc v35;
	s3 =	simm.s32 $0x8300;
	s16 =	simm.s32 $0x300;
	v44 =	vmov v37;
	v53 =	vmov v47;
	v54 =	vmov v46  }
.LBB2_8:
.Ltmp9:
0x25e: {  	(pc) =	sbr.rel .LBB2_13-.Ltmp9, $4  }
0x25f: {  	_ = 	snop  }
0x260: {  	v42 =	vmov v48;
	v45 =	vmov v38;
	v40 =	vmov v41  }
0x261: {  	s3 =	simm.s32 $0x8500;
	v56 =	vmovc v36;
	v5 =	vmovc v62;
	v48 =	vmov v34;
	v38 =	vmov v43;
	v41 =	vmov v35  }
0x262: {  	v62 =	vmovc v50;
	s5 =	simm.s32 $0x8300;
	s16 =	simm.s32 $0x300;
	s17 =	simm.s32 $0x300;
	v44 =	vmovc v49;
	v49 =	vmov v37;
	v53 =	vmov v51;
	v54 =	vmov v52  }
.LBB2_10:
.Ltmp10:
0x263: {  	(pc) =	sbr.rel .LBB2_13-.Ltmp10, $3  }
0x264: {  	_ =	sdelay $0x1  }
0x265: {  	v56 =	vmovc v39;
	v6 =	vmov v62;
	v3 =	vmov v47;
	v2 =	vmov v46  }
0x266: {  	s15 =	simm.s32 $0x300;
	v5 =	vmovc v50;
	v62 =	vmovc v28;
	v47 =	vmov v51;
	v46 =	vmov v52;
	v39 =	vmov v55;
	s17 =	simm.s32 $0x500  }
.LBB2_14:
0x267: {  	_ =	sfence.sel $0x180000  }
0x268: {  	[bflag:$0x0] =	sbarrier.arrive $0xFFFF  }
0x269: {  	_ =	strace $0x90000047  }
0x26a: {  	s0 =	stileid.u32;
	[bflag:$0x2] =	sbarrier.arrive $0xFFFF  }
0x26b: {  	p0 =	sne.s32 s0, $0x0;
	s0 =	rddreg [dreg:$0x8]  }
0x26c: {  	s0 =	sadd.s32 @!p0 $0x100000, s0  }
0x26d: {  	[sflag:s0] =	ssyncadd.tile.s32 @!p0 $0x1;
	_ =	shalt  }
.Lfunc_end2:
_tile_overlayer_lowered:
.L_overlay_start_2:
0x26e: {  	(tag) =	ssettag $0x2  }
0x26f: {  	s0 =	rddreg [dreg:$0x0];
	s2 =	stileid.u32  }
0x270: {  	s1 =	rddreg [dreg:$0x1];
	p0 =	sne.s32 s2, $0x0  }
0x271: {  	s3 =	rddreg [dreg:$0x2];
	[bflag:$0x3] =	sbarrier.arrive $0xFFFF;
	s2 =	simm.s32 @!p0 $0x1C05  }
0x272: {  	[timem:s3], [sflag:s2] =	dma.local @!p0 [hbm:s0], s1  }
0x273: {  	s0 =	simm.s32 @!p0 $0x5  }
0x274: {  	_ =	swait.ge @!p0 [sflag:s0], s1  }
0x275: {  	s1 =	ssub.s32 @!p0 $0x0, s1;
	[sflag:s0] =	ssyncset.done @!p0 $0x0  }
0x276: {  	[sflag:s0] =	ssyncadd.s32 @!p0 s1  }
0x277: {  	[bflag:$0x3] =	sbarrier.arrive $0xFFFF  }
0x278: {  	_ =	shalt  }

</sc_bundles>
